<compile_context>
chip_gen: v7x
topology: tpu7x:2x2x1
jax: 0.10.2.dev20260603
libtpu: 0.0.44.dev20260713+nightly
codegen_flags: <defaults>
</compile_context>

<pallas_src>
import functools

import jax
import jax.numpy as jnp
from jax import lax
from jax.experimental import pallas as pl
from jax.experimental.pallas import tpu as pltpu
from jax.experimental.pallas import tpu_sc as plsc

N_NODES = 10000
NP = 10240
E = 320000
CH = 128
NCH = E // CH
EPW = E // 32
G = 64
TILES = 16
ROWS_PT = NP // TILES
R = 1024
NBLK = NP // R

_MESH = plsc.VectorSubcoreMesh(core_axis_name="c", subcore_axis_name="s")
_SC_PARAMS = pltpu.CompilerParams(needs_layout_passes=False)


def _settle(scratch_i32):
    plsc.subcore_barrier()

    def spin(i, a):
        return a * 3 + 1

    a = lax.fori_loop(0, 512, spin, jnp.zeros((16,), jnp.int32))
    scratch_i32[pl.ds(0, 16)] = a
    plsc.subcore_barrier()


def _deg_body(dst_hbm, out_hbm, hist, idxb, sem):
    c = lax.axis_index("c")
    s = lax.axis_index("s")
    w = c * TILES + s
    zero16 = jnp.zeros((16,), jnp.float32)

    def zero_it(i, carry):
        hist[pl.ds(i * 16, 16)] = zero16
        return carry

    lax.fori_loop(0, NP // 16, zero_it, 0)
    pltpu.sync_copy(dst_hbm.at[pl.ds(w * EPW, EPW)], idxb)
    one16 = jnp.ones((16,), jnp.float32)

    def it(i, carry):
        v = idxb[pl.ds(i * 16, 16)]
        plsc.addupdate_scatter(hist, [v], one16)
        return carry

    lax.fori_loop(0, EPW // 16, it, 0)
    pltpu.sync_copy(hist, out_hbm.at[w])


_deg_kernel = pl.kernel(
    _deg_body,
    out_type=jax.ShapeDtypeStruct((32, NP), jnp.float32),
    mesh=_MESH,
    compiler_params=_SC_PARAMS,
    scratch_types=[
        pltpu.VMEM((NP,), jnp.float32),
        pltpu.VMEM((EPW,), jnp.int32),
        pltpu.SemaphoreType.DMA,
    ],
)


def _agg1_body(g_hbm, zq_hbm, es_hbm, out_hbm, accum, ip, rows_v, sem):
    c = lax.axis_index("c")
    s = lax.axis_index("s")
    base = s * ROWS_PT

    @pl.when(c == 0)
    def _():
        pltpu.sync_copy(g_hbm.at[pl.ds(base, ROWS_PT)],
                        accum.at[pl.ds(base, ROWS_PT)])

    @pl.when(c == 1)
    def _():
        pltpu.sync_copy(zq_hbm.at[pl.ds(base, ROWS_PT)],
                        accum.at[pl.ds(base, ROWS_PT)])

    plsc.subcore_barrier()
    half = NCH // 2
    ntr = 78 + jnp.where(s < half - 16 * 78, 1, 0)

    def it(i, carry):
        r = c * half + s + i * TILES
        pltpu.sync_copy(es_hbm.at[pl.ds(2 * r, 2)], ip)
        pltpu.async_copy(g_hbm.at[ip.at[0]], rows_v, sem).wait()
        pltpu.sync_copy(rows_v, accum.at[ip.at[1]], add=True)
        return carry

    lax.fori_loop(0, ntr, it, 0)
    _settle(ip.at[0])
    pltpu.sync_copy(accum.at[pl.ds(base, ROWS_PT)],
                    out_hbm.at[pl.ds(c * NP + base, ROWS_PT)])


_agg1_kernel = pl.kernel(
    _agg1_body,
    out_type=jax.ShapeDtypeStruct((2 * NP, 128), jnp.float32),
    mesh=_MESH,
    compiler_params=_SC_PARAMS,
    scratch_types=[
        pltpu.VMEM_SHARED((NP, 128), jnp.float32),
        pltpu.VMEM((2, CH), jnp.int32),
        pltpu.VMEM((CH, 128), jnp.float32),
        pltpu.SemaphoreType.DMA,
    ],
)


def _agg2_body(g_hbm, es_hbm, out_hbm, accum, ip, rows_v, sem):
    c = lax.axis_index("c")
    s = lax.axis_index("s")
    base = s * ROWS_PT
    pltpu.sync_copy(g_hbm.at[pl.ds(c * NP + base, ROWS_PT)],
                    accum.at[pl.ds(base, ROWS_PT)])
    plsc.subcore_barrier()
    ntr = 156 + jnp.where(s < NCH - 16 * 156, 1, 0)

    def it(i, carry):
        r = s + i * TILES
        pltpu.sync_copy(es_hbm.at[pl.ds(2 * (c * NCH + r), 2)], ip)
        pltpu.async_copy(g_hbm.at[ip.at[0]], rows_v, sem).wait()
        pltpu.sync_copy(rows_v, accum.at[ip.at[1]], add=True)
        return carry

    lax.fori_loop(0, ntr, it, 0)
    _settle(ip.at[0])
    pltpu.sync_copy(accum.at[pl.ds(base, ROWS_PT)],
                    out_hbm.at[pl.ds(c * NP + base, ROWS_PT)])


_agg2_kernel = pl.kernel(
    _agg2_body,
    out_type=jax.ShapeDtypeStruct((2 * NP, 128), jnp.float32),
    mesh=_MESH,
    compiler_params=_SC_PARAMS,
    scratch_types=[
        pltpu.VMEM_SHARED((NP, 128), jnp.float32),
        pltpu.VMEM((2, CH), jnp.int32),
        pltpu.VMEM((CH, 128), jnp.float32),
        pltpu.SemaphoreType.DMA,
    ],
)


def _deg_dinv(d_ref):
    deg = jnp.sum(d_ref[...], axis=0) + 1.0
    return lax.rsqrt(deg)


def _stage1_body(x_ref, w_ref, d_ref, out_ref):
    h = jnp.dot(x_ref[...], w_ref[...], preferred_element_type=jnp.float32)
    out_ref[...] = h * _deg_dinv(d_ref)[:, None]


def _stage1(x_pad, W1, dparts):
    return pl.pallas_call(
        _stage1_body,
        grid=(NBLK,),
        in_specs=[
            pl.BlockSpec((R, 128), lambda i: (i, 0)),
            pl.BlockSpec((128, 128), lambda i: (0, 0)),
            pl.BlockSpec((32, R), lambda i: (0, i)),
        ],
        out_specs=pl.BlockSpec((R, 128), lambda i: (i, 0)),
        out_shape=jax.ShapeDtypeStruct((NP, 128), jnp.float32),
    )(x_pad, W1, dparts)


def _pool_body(mode, d_out, has_next, *refs):
    if has_next:
        (s0_ref, s1_ref, d_ref, b_ref, bt_ref, w_ref,
         p_ref, cnt_ref, g_ref) = refs
    else:
        s0_ref, s1_ref, d_ref, b_ref, bt_ref, p_ref, cnt_ref = refs
    i = pl.program_id(0)
    if mode == "sum":
        S = s0_ref[...] + s1_ref[...]
    else:
        S = jnp.concatenate([s0_ref[...], s1_ref[...]], axis=1)
    dinv = _deg_dinv(d_ref)
    h = jnp.maximum(S * dinv[:, None] + b_ref[...], 0.0)
    bt = bt_ref[0, 0]
    oh = (lax.broadcasted_iota(jnp.int32, (G, R), 0) == bt[None, :]
          ).astype(jnp.float32)
    pp = jnp.dot(oh, h, preferred_element_type=jnp.float32)
    cc = jnp.broadcast_to(jnp.sum(oh, axis=1)[:, None], (G, d_out))

    @pl.when(i == 0)
    def _():
        p_ref[...] = pp
        cnt_ref[...] = cc

    @pl.when(i > 0)
    def _():
        p_ref[...] += pp
        cnt_ref[...] += cc

    if has_next:
        g2 = jnp.dot(h, w_ref[...], preferred_element_type=jnp.float32) \
            * dinv[:, None]
        g_ref[0] = g2[:, :128]
        g_ref[1] = g2[:, 128:]

    @pl.when(i == NBLK - 1)
    def _():
        p_ref[...] = p_ref[...] / jnp.maximum(cnt_ref[...], 1.0)


def _pool_l1(S0, S1, dparts, b1, bt3d, W2):
    return pl.pallas_call(
        functools.partial(_pool_body, "sum", 128, True),
        grid=(NBLK,),
        in_specs=[
            pl.BlockSpec((R, 128), lambda i: (i, 0)),
            pl.BlockSpec((R, 128), lambda i: (i, 0)),
            pl.BlockSpec((32, R), lambda i: (0, i)),
            pl.BlockSpec((1, 128), lambda i: (0, 0)),
            pl.BlockSpec((1, 1, R), lambda i: (i, 0, 0)),
            pl.BlockSpec((128, 256), lambda i: (0, 0)),
        ],
        out_specs=[
            pl.BlockSpec((G, 128), lambda i: (0, 0)),
            pl.BlockSpec((G, 128), lambda i: (0, 0)),
            pl.BlockSpec((2, R, 128), lambda i: (0, i, 0)),
        ],
        out_shape=[
            jax.ShapeDtypeStruct((G, 128), jnp.float32),
            jax.ShapeDtypeStruct((G, 128), jnp.float32),
            jax.ShapeDtypeStruct((2, NP, 128), jnp.float32),
        ],
    )(S0, S1, dparts, b1, bt3d, W2)


def _pool_l2(S2a, S2b, dparts, b2, bt3d):
    return pl.pallas_call(
        functools.partial(_pool_body, "concat", 256, False),
        grid=(NBLK,),
        in_specs=[
            pl.BlockSpec((R, 128), lambda i: (i, 0)),
            pl.BlockSpec((R, 128), lambda i: (i, 0)),
            pl.BlockSpec((32, R), lambda i: (0, i)),
            pl.BlockSpec((1, 256), lambda i: (0, 0)),
            pl.BlockSpec((1, 1, R), lambda i: (i, 0, 0)),
        ],
        out_specs=[
            pl.BlockSpec((G, 256), lambda i: (0, 0)),
            pl.BlockSpec((G, 256), lambda i: (0, 0)),
        ],
        out_shape=[
            jax.ShapeDtypeStruct((G, 256), jnp.float32),
            jax.ShapeDtypeStruct((G, 256), jnp.float32),
        ],
    )(S2a, S2b, dparts, b2, bt3d)


def kernel(x, edge_index, edge_weight, batch, W1, b1, W2, b2):
    src2d = edge_index[0].reshape(NCH, CH)
    dst2d = edge_index[1].reshape(NCH, CH)
    esi1 = jnp.stack([src2d, dst2d], axis=1).reshape(2 * NCH, CH)
    esi2 = jnp.concatenate(
        [esi1, jnp.stack([src2d + NP, dst2d], axis=1).reshape(2 * NCH, CH)],
        axis=0)
    x_pad = jnp.pad(x, ((0, NP - N_NODES), (0, 0)))
    bt3d = jnp.pad(batch, (0, NP - N_NODES), constant_values=G
                   ).reshape(NBLK, 1, R)
    zeros_q = jnp.zeros((NP, 128), jnp.float32)

    dparts = _deg_kernel(edge_index[1])

    g1 = _stage1(x_pad, W1, dparts)
    S1 = _agg1_kernel(g1, zeros_q, esi1)

    p1, _, g2 = _pool_l1(S1[:NP], S1[NP:], dparts,
                         b1.reshape(1, 128), bt3d, W2)
    g2 = g2.reshape(2 * NP, 128)
    S2 = _agg2_kernel(g2, esi2)

    p2, _ = _pool_l2(S2[:NP], S2[NP:], dparts,
                     b2.reshape(1, 256), bt3d)
    return (x, p1, p2)

# --- scband reference (transcript-rebuilt; emitter-appended) ---
"""Pipeline reference for scband-mfcldta-57518202028368 (READ-ONLY COPY).

The authoritative reference and input builder live on the scoring server;
editing this copy changes nothing except your own understanding.
"""

import jax, jax.numpy as jnp
import numpy as np

N_NODES = 10000
N_EDGES = 320000
N_GRAPHS = 64
D_IN = 128
D_HID = 128
D_OUT = 256


def setup_inputs(seed: int = 0) -> dict:
    key = jax.random.key(seed)
    k1, k2, k3, k4, k5, k6, k7 = jax.random.split(key, 7)
    x = jax.random.normal(k1, (N_NODES, D_IN), dtype=jnp.float32)
    edge_index = jax.random.randint(k2, (2, N_EDGES), 0, N_NODES, dtype=jnp.int32)
    edge_weight = jnp.ones((N_EDGES,), dtype=jnp.float32)
    batch = jnp.sort(jax.random.randint(k3, (N_NODES,), 0, N_GRAPHS, dtype=jnp.int32))
    W1 = jax.random.normal(k4, (D_IN, D_HID), dtype=jnp.float32) * (1.0 / np.sqrt(D_IN))
    b1 = jnp.zeros((D_HID,), dtype=jnp.float32)
    W2 = jax.random.normal(k5, (D_HID, D_OUT), dtype=jnp.float32) * (1.0 / np.sqrt(D_HID))
    b2 = jnp.zeros((D_OUT,), dtype=jnp.float32)
    return {"x": x, "edge_index": edge_index, "edge_weight": edge_weight, "batch": batch,
            "W1": W1, "b1": b1, "W2": W2, "b2": b2}


def _gcn_conv(x, src, dst, edge_weight, W, b, num_nodes):
    # PyG GCNConv: add self-loops, symmetric normalization, aggregate src->dst
    loop_idx = jnp.arange(num_nodes, dtype=src.dtype)
    src_f = jnp.concatenate([src, loop_idx])
    dst_f = jnp.concatenate([dst, loop_idx])
    w_f = jnp.concatenate([edge_weight, jnp.ones((num_nodes,), x.dtype)])
    deg = jax.ops.segment_sum(w_f, dst_f, num_segments=num_nodes)
    dinv = jnp.where(deg > 0, deg ** -0.5, 0.0)
    norm = dinv[src_f] * w_f * dinv[dst_f]
    h = x @ W
    msgs = h[src_f] * norm[:, None]
    out = jax.ops.segment_sum(msgs, dst_f, num_segments=num_nodes) + b
    return out


def _mean_pool(h, batch, num_graphs):
    s = jax.ops.segment_sum(h, batch, num_segments=num_graphs)
    c = jax.ops.segment_sum(jnp.ones((h.shape[0],), h.dtype), batch, num_segments=num_graphs)
    return s / jnp.maximum(c, 1.0)[:, None]


def reference(x, edge_index, edge_weight, batch, W1, b1, W2, b2):
    src, dst = edge_index[0], edge_index[1]
    # layer 1: GCNConv + ReLU, then global mean pool (gep)
    h1 = _gcn_conv(x, src, dst, edge_weight, W1, b1, N_NODES)
    h1 = jax.nn.relu(h1)
    p1 = _mean_pool(h1, batch, N_GRAPHS)
    # layer 2: GCNConv + ReLU, then global mean pool
    h2 = _gcn_conv(h1, src, dst, edge_weight, W2, b2, N_NODES)
    h2 = jax.nn.relu(h2)
    p2 = _mean_pool(h2, batch, N_GRAPHS)
    # GCNBlock returns embeddings = [x, gep(out1), gep(out2)]
    return (x, p1, p2)

if __name__ == "__main__":
    import jax
    _d = setup_inputs()
    print(jax.jit(kernel)(*tuple(_d.values())))

</pallas_src>

<mosaic_0001>
#map = affine_map<(d0, d1) -> (0)>
#map1 = affine_map<(d0, d1) -> (0, 0)>
module attributes {stable_mosaic.version = 14 : i64} {
  func.func @_deg_body(%arg0: i32, %arg1: i32, %arg2: memref<320000xi32, #tpu.memory_space<hbm>>, %arg3: memref<32x10240xf32, #tpu.memory_space<hbm>>, %arg4: memref<10240xf32, #tpu.memory_space<vmem>>, %arg5: memref<10000xi32, #tpu.memory_space<vmem>>, %arg6: memref<!tpu.dma_semaphore, #tpu.memory_space<semaphore_mem>>) attributes {dimension_semantics = [#tpu.dimension_semantics<core_parallel>, #tpu.dimension_semantics<subcore_parallel>], iteration_bounds = array<i64: 2, 16>, scalar_prefetch = 0 : i64, scratch_operands = 3 : i64, tpu.core_type = #tpu.core_type<sc_vector_subcore>, window_params = [{transform_indices = #map}, {transform_indices = #map1}]} {
    %mul3A = arith.constant 16 : i32
    %mul3A_0 = arith.muli %arg0, %mul3A : i32
    %add3A = arith.addi %mul3A_0, %arg1 : i32
    %broadcast_in_dim3A = arith.constant 0.000000e+00 : f32
    %broadcast_in_dim3A_1 = vector.broadcast %broadcast_in_dim3A : f32 to vector<16xf32>
    %scan3A = arith.constant 0 : i32
    %scan3A_2 = arith.constant 0 : i32
    %scan3A_3 = arith.constant 640 : i32
    %scan3A_4 = arith.addi %scan3A_2, %scan3A_3 : i32
    %scan3A_5 = arith.constant 1 : i32
    scf.for %scan3A_17 = %scan3A_2 to %scan3A_4 step %scan3A_5  : i32 {
      %mul3A_18 = arith.constant 16 : i32
      %mul3A_19 = arith.muli %scan3A_17, %mul3A_18 : i32
      %swap3A = arith.index_cast %mul3A_19 : i32 to index
      %swap3A_20 = tpu.vector_load %arg4[%swap3A] {strides = array<i32>} : memref<10240xf32, #tpu.memory_space<vmem>>, vector<16xf32>,
      tpu.vector_store %arg4[%swap3A], %broadcast_in_dim3A_1 {strides = array<i32>} : memref<10240xf32, #tpu.memory_space<vmem>>, vector<16xf32>,
    }
    %scan3A_6 = arith.constant 640 : i32
    %mul3A_7 = arith.constant 10000 : i32
    %mul3A_8 = arith.muli %add3A, %mul3A_7 : i32
    "tpu.region"() ({
      %run_scoped3A = tpu.sem_alloc : memref<!tpu.dma_semaphore, #tpu.memory_space<semaphore_mem>>
      %dma_start3A = tpu.memref_slice %arg2[%mul3A_8] : memref<320000xi32, #tpu.memory_space<hbm>> -> memref<10000xi32, #tpu.memory_space<hbm>>
      %dma_start3A_17 = tpu.memref_slice %arg2[%mul3A_8] : memref<320000xi32, #tpu.memory_space<hbm>> -> memref<10000xi32, #tpu.memory_space<hbm>>
      tpu.enqueue_dma source(%dma_start3A_17 : memref<10000xi32, #tpu.memory_space<hbm>>) target(%arg5 : memref<10000xi32, #tpu.memory_space<vmem>>) target_semaphore(%run_scoped3A : memref<!tpu.dma_semaphore, #tpu.memory_space<semaphore_mem>>)
      %dma_wait3A = tpu.memref_slice %arg2[%mul3A_8] : memref<320000xi32, #tpu.memory_space<hbm>> -> memref<10000xi32, #tpu.memory_space<hbm>>
      %dma_wait3A_18 = tpu.memref_slice %arg2[%mul3A_8] : memref<320000xi32, #tpu.memory_space<hbm>> -> memref<10000xi32, #tpu.memory_space<hbm>>
      tpu.wait_dma2 semaphore(%run_scoped3A : memref<!tpu.dma_semaphore, #tpu.memory_space<semaphore_mem>>) src(%dma_wait3A_18 : memref<10000xi32, #tpu.memory_space<hbm>>) dst(%arg5 : memref<10000xi32, #tpu.memory_space<vmem>>)
      tpu.yield
    }) : () -> ()
    %broadcast_in_dim3A_9 = arith.constant 1.000000e+00 : f32
    %broadcast_in_dim3A_10 = vector.broadcast %broadcast_in_dim3A_9 : f32 to vector<16xf32>
    %scan3A_11 = arith.constant 0 : i32
    %scan3A_12 = arith.constant 0 : i32
    %scan3A_13 = arith.constant 625 : i32
    %scan3A_14 = arith.addi %scan3A_12, %scan3A_13 : i32
    %scan3A_15 = arith.constant 1 : i32
    scf.for %scan3A_17 = %scan3A_12 to %scan3A_14 step %scan3A_15  : i32 {
      %mul3A_18 = arith.constant 16 : i32
      %mul3A_19 = arith.muli %scan3A_17, %mul3A_18 : i32
      %get3A = arith.index_cast %mul3A_19 : i32 to index
      %get3A_20 = tpu.vector_load %arg5[%get3A] {strides = array<i32>} : memref<10000xi32, #tpu.memory_space<vmem>>, vector<16xi32>,
      tpu.vector_store_idx %arg4[%get3A_20], %broadcast_in_dim3A_10 {add = true} : memref<10240xf32, #tpu.memory_space<vmem>>[vector<16xi32>], vector<16xf32>,
    }
    %scan3A_16 = arith.constant 625 : i32
    "tpu.region"() ({
      %run_scoped3A = tpu.sem_alloc : memref<!tpu.dma_semaphore, #tpu.memory_space<semaphore_mem>>
      %dma_start3A = arith.constant 0 : i32
      %dma_start3A_17 = tpu.memref_slice %arg3[%add3A, %dma_start3A] : memref<32x10240xf32, #tpu.memory_space<hbm>> -> memref<1x10240xf32, #tpu.memory_space<hbm>>
      %dma_start3A_18 = tpu.memref_squeeze %dma_start3A_17 : memref<1x10240xf32, #tpu.memory_space<hbm>> -> memref<10240xf32, #tpu.memory_space<hbm>>
      %dma_start3A_19 = arith.constant 0 : i32
      %dma_start3A_20 = tpu.memref_slice %arg3[%add3A, %dma_start3A_19] : memref<32x10240xf32, #tpu.memory_space<hbm>> -> memref<1x10240xf32, #tpu.memory_space<hbm>>
      %dma_start3A_21 = tpu.memref_squeeze %dma_start3A_20 : memref<1x10240xf32, #tpu.memory_space<hbm>> -> memref<10240xf32, #tpu.memory_space<hbm>>
      tpu.enqueue_dma source(%arg4 : memref<10240xf32, #tpu.memory_space<vmem>>) target(%dma_start3A_21 : memref<10240xf32, #tpu.memory_space<hbm>>) target_semaphore(%run_scoped3A : memref<!tpu.dma_semaphore, #tpu.memory_space<semaphore_mem>>)
      %dma_wait3A = arith.constant 0 : i32
      %dma_wait3A_22 = tpu.memref_slice %arg3[%add3A, %dma_wait3A] : memref<32x10240xf32, #tpu.memory_space<hbm>> -> memref<1x10240xf32, #tpu.memory_space<hbm>>
      %dma_wait3A_23 = tpu.memref_squeeze %dma_wait3A_22 : memref<1x10240xf32, #tpu.memory_space<hbm>> -> memref<10240xf32, #tpu.memory_space<hbm>>
      %dma_wait3A_24 = arith.constant 0 : i32
      %dma_wait3A_25 = tpu.memref_slice %arg3[%add3A, %dma_wait3A_24] : memref<32x10240xf32, #tpu.memory_space<hbm>> -> memref<1x10240xf32, #tpu.memory_space<hbm>>
      %dma_wait3A_26 = tpu.memref_squeeze %dma_wait3A_25 : memref<1x10240xf32, #tpu.memory_space<hbm>> -> memref<10240xf32, #tpu.memory_space<hbm>>
      tpu.wait_dma2 semaphore(%run_scoped3A : memref<!tpu.dma_semaphore, #tpu.memory_space<semaphore_mem>>) src(%arg4 : memref<10240xf32, #tpu.memory_space<vmem>>) dst(%dma_wait3A_26 : memref<10240xf32, #tpu.memory_space<hbm>>)
      tpu.yield
    }) : () -> ()
    return
  }
}

#map = affine_map<(d0, d1) -> (0, 0)>
module attributes {stable_mosaic.version = 14 : i64} {
  func.func @_agg1_body(%arg0: i32, %arg1: i32, %arg2: memref<10240x128xf32, #tpu.memory_space<hbm>>, %arg3: memref<10240x128xf32, #tpu.memory_space<hbm>>, %arg4: memref<5000x128xi32, #tpu.memory_space<hbm>>, %arg5: memref<20480x128xf32, #tpu.memory_space<hbm>>, %arg6: memref<10240x128xf32, #tpu.memory_space<vmem_shared>>, %arg7: memref<2x128xi32, #tpu.memory_space<vmem>>, %arg8: memref<128x128xf32, #tpu.memory_space<vmem>>, %arg9: memref<!tpu.dma_semaphore, #tpu.memory_space<semaphore_mem>>) attributes {dimension_semantics = [#tpu.dimension_semantics<core_parallel>, #tpu.dimension_semantics<subcore_parallel>], iteration_bounds = array<i64: 2, 16>, scalar_prefetch = 0 : i64, scratch_operands = 4 : i64, tpu.core_type = #tpu.core_type<sc_vector_subcore>, window_params = [{transform_indices = #map}, {transform_indices = #map}, {transform_indices = #map}, {transform_indices = #map}]} {
    %mul3A = arith.constant 640 : i32
    %mul3A_0 = arith.muli %arg1, %mul3A : i32
    %eq3A = arith.constant 0 : i32
    %eq3A_1 = arith.cmpi eq, %arg0, %eq3A : i32
    %convert_element_type3A = arith.extui %eq3A_1 : i1 to i32
    %cond3A = arith.constant 0 : i32
    %cond3A_2 = arith.cmpi ne, %convert_element_type3A, %cond3A : i32
    scf.if %cond3A_2 {
      "tpu.region"() ({
        %run_scoped3A = tpu.sem_alloc : memref<!tpu.dma_semaphore, #tpu.memory_space<semaphore_mem>>
        %dma_start3A = arith.constant 0 : i32
        %dma_start3A_36 = tpu.memref_slice %arg6[%mul3A_0, %dma_start3A] : memref<10240x128xf32, #tpu.memory_space<vmem_shared>> -> memref<640x128xf32, #tpu.memory_space<vmem_shared>>
        %dma_start3A_37 = arith.constant 0 : i32
        %dma_start3A_38 = tpu.memref_slice %arg2[%mul3A_0, %dma_start3A_37] : memref<10240x128xf32, #tpu.memory_space<hbm>> -> memref<640x128xf32, #tpu.memory_space<hbm>>
        tpu.enqueue_dma source(%dma_start3A_38 : memref<640x128xf32, #tpu.memory_space<hbm>>) target(%dma_start3A_36 : memref<640x128xf32, #tpu.memory_space<vmem_shared>>) target_semaphore(%run_scoped3A : memref<!tpu.dma_semaphore, #tpu.memory_space<semaphore_mem>>)
        %dma_wait3A = arith.constant 0 : i32
        %dma_wait3A_39 = tpu.memref_slice %arg6[%mul3A_0, %dma_wait3A] : memref<10240x128xf32, #tpu.memory_space<vmem_shared>> -> memref<640x128xf32, #tpu.memory_space<vmem_shared>>
        %dma_wait3A_40 = arith.constant 0 : i32
        %dma_wait3A_41 = tpu.memref_slice %arg2[%mul3A_0, %dma_wait3A_40] : memref<10240x128xf32, #tpu.memory_space<hbm>> -> memref<640x128xf32, #tpu.memory_space<hbm>>
        tpu.wait_dma2 semaphore(%run_scoped3A : memref<!tpu.dma_semaphore, #tpu.memory_space<semaphore_mem>>) src(%dma_wait3A_41 : memref<640x128xf32, #tpu.memory_space<hbm>>) dst(%dma_wait3A_39 : memref<640x128xf32, #tpu.memory_space<vmem_shared>>)
        tpu.yield
      }) : () -> ()
    } else {
    }
    %eq3A_3 = arith.constant 1 : i32
    %eq3A_4 = arith.cmpi eq, %arg0, %eq3A_3 : i32
    %convert_element_type3A_5 = arith.extui %eq3A_4 : i1 to i32
    %cond3A_6 = arith.constant 0 : i32
    %cond3A_7 = arith.cmpi ne, %convert_element_type3A_5, %cond3A_6 : i32
    scf.if %cond3A_7 {
      "tpu.region"() ({
        %run_scoped3A = tpu.sem_alloc : memref<!tpu.dma_semaphore, #tpu.memory_space<semaphore_mem>>
        %dma_start3A = arith.constant 0 : i32
        %dma_start3A_36 = tpu.memref_slice %arg6[%mul3A_0, %dma_start3A] : memref<10240x128xf32, #tpu.memory_space<vmem_shared>> -> memref<640x128xf32, #tpu.memory_space<vmem_shared>>
        %dma_start3A_37 = arith.constant 0 : i32
        %dma_start3A_38 = tpu.memref_slice %arg3[%mul3A_0, %dma_start3A_37] : memref<10240x128xf32, #tpu.memory_space<hbm>> -> memref<640x128xf32, #tpu.memory_space<hbm>>
        tpu.enqueue_dma source(%dma_start3A_38 : memref<640x128xf32, #tpu.memory_space<hbm>>) target(%dma_start3A_36 : memref<640x128xf32, #tpu.memory_space<vmem_shared>>) target_semaphore(%run_scoped3A : memref<!tpu.dma_semaphore, #tpu.memory_space<semaphore_mem>>)
        %dma_wait3A = arith.constant 0 : i32
        %dma_wait3A_39 = tpu.memref_slice %arg6[%mul3A_0, %dma_wait3A] : memref<10240x128xf32, #tpu.memory_space<vmem_shared>> -> memref<640x128xf32, #tpu.memory_space<vmem_shared>>
        %dma_wait3A_40 = arith.constant 0 : i32
        %dma_wait3A_41 = tpu.memref_slice %arg3[%mul3A_0, %dma_wait3A_40] : memref<10240x128xf32, #tpu.memory_space<hbm>> -> memref<640x128xf32, #tpu.memory_space<hbm>>
        tpu.wait_dma2 semaphore(%run_scoped3A : memref<!tpu.dma_semaphore, #tpu.memory_space<semaphore_mem>>) src(%dma_wait3A_41 : memref<640x128xf32, #tpu.memory_space<hbm>>) dst(%dma_wait3A_39 : memref<640x128xf32, #tpu.memory_space<vmem_shared>>)
        tpu.yield
      }) : () -> ()
    } else {
    }
    %barrier3A = arith.constant 0 : index
    tpu.barrier barrier_id(%barrier3A)
    %lt3A = arith.constant 2 : i32
    %lt3A_8 = arith.cmpi slt, %arg1, %lt3A : i32
    %jit3A = arith.constant 1 : i32
    %jit3A_9 = arith.constant 0 : i32
    %select_n3A = arith.select %lt3A_8, %jit3A, %jit3A_9 : i32
    %add3A = arith.constant 78 : i32
    %add3A_10 = arith.addi %add3A, %select_n3A : i32
    %while3A = arith.constant 0 : i32
    %while3A_11 = arith.constant 0 : i32
    %while3A_12 = arith.subi %add3A_10, %while3A_11 : i32
    %while3A_13 = arith.addi %while3A_11, %while3A_12 : i32
    %while3A_14 = arith.constant 1 : i32
    %while3A_15 = arith.divsi %while3A_12, %while3A_14 : i32
    %while3A_16 = arith.muli %while3A_15, %while3A_14 : i32
    %while3A_17 = arith.addi %while3A_11, %while3A_16 : i32
    %while3A_18 = arith.constant 1 : i32
    scf.for %while3A_36 = %while3A_11 to %while3A_17 step %while3A_18  : i32 {
      %mul3A_37 = arith.constant 1250 : i32
      %mul3A_38 = arith.muli %arg0, %mul3A_37 : i32
      %add3A_39 = arith.addi %mul3A_38, %arg1 : i32
      %mul3A_40 = arith.constant 16 : i32
      %mul3A_41 = arith.muli %while3A_36, %mul3A_40 : i32
      %add3A_42 = arith.addi %add3A_39, %mul3A_41 : i32
      %mul3A_43 = arith.constant 2 : i32
      %mul3A_44 = arith.muli %mul3A_43, %add3A_42 : i32
      "tpu.region"() ({
        %run_scoped3A_57 = tpu.sem_alloc : memref<!tpu.dma_semaphore, #tpu.memory_space<semaphore_mem>>
        %dma_start3A_58 = arith.constant 0 : i32
        %dma_start3A_59 = tpu.memref_slice %arg4[%mul3A_44, %dma_start3A_58] : memref<5000x128xi32, #tpu.memory_space<hbm>> -> memref<2x128xi32, #tpu.memory_space<hbm>>
        %dma_start3A_60 = arith.constant 0 : i32
        %dma_start3A_61 = tpu.memref_slice %arg4[%mul3A_44, %dma_start3A_60] : memref<5000x128xi32, #tpu.memory_space<hbm>> -> memref<2x128xi32, #tpu.memory_space<hbm>>
        tpu.enqueue_dma source(%dma_start3A_61 : memref<2x128xi32, #tpu.memory_space<hbm>>) target(%arg7 : memref<2x128xi32, #tpu.memory_space<vmem>>) target_semaphore(%run_scoped3A_57 : memref<!tpu.dma_semaphore, #tpu.memory_space<semaphore_mem>>)
        %dma_wait3A_62 = arith.constant 0 : i32
        %dma_wait3A_63 = tpu.memref_slice %arg4[%mul3A_44, %dma_wait3A_62] : memref<5000x128xi32, #tpu.memory_space<hbm>> -> memref<2x128xi32, #tpu.memory_space<hbm>>
        %dma_wait3A_64 = arith.constant 0 : i32
        %dma_wait3A_65 = tpu.memref_slice %arg4[%mul3A_44, %dma_wait3A_64] : memref<5000x128xi32, #tpu.memory_space<hbm>> -> memref<2x128xi32, #tpu.memory_space<hbm>>
        tpu.wait_dma2 semaphore(%run_scoped3A_57 : memref<!tpu.dma_semaphore, #tpu.memory_space<semaphore_mem>>) src(%dma_wait3A_65 : memref<2x128xi32, #tpu.memory_space<hbm>>) dst(%arg7 : memref<2x128xi32, #tpu.memory_space<vmem>>)
        tpu.yield
      }) : () -> ()
      %dma_start3A = arith.constant 0 : i32
      %dma_start3A_45 = arith.constant 0 : i32
      %dma_start3A_46 = tpu.memref_slice %arg7[%dma_start3A, %dma_start3A_45] : memref<2x128xi32, #tpu.memory_space<vmem>> -> memref<1x128xi32, #tpu.memory_space<vmem>>
      %dma_start3A_47 = tpu.memref_squeeze %dma_start3A_46 : memref<1x128xi32, #tpu.memory_space<vmem>> -> memref<128xi32, #tpu.memory_space<vmem>>
      %dma_start3A_48 = arith.constant 0 : i32
      %dma_start3A_49 = arith.constant 0 : i32
      %dma_start3A_50 = tpu.memref_slice %arg2[%dma_start3A_48, %dma_start3A_49] : memref<10240x128xf32, #tpu.memory_space<hbm>> -> memref<10240x128xf32, #tpu.memory_space<hbm>>
      tpu.enqueue_indirect_dma source(%dma_start3A_50 : memref<10240x128xf32, #tpu.memory_space<hbm>>) target(%arg8 : memref<128x128xf32, #tpu.memory_space<vmem>>) offsets(%dma_start3A_47 : memref<128xi32, #tpu.memory_space<vmem>>) semaphore(%arg9 : memref<!tpu.dma_semaphore, #tpu.memory_space<semaphore_mem>>)
      %dma_wait3A = arith.constant 0 : i32
      %dma_wait3A_51 = arith.constant 0 : i32
      %dma_wait3A_52 = tpu.memref_slice %arg7[%dma_wait3A, %dma_wait3A_51] : memref<2x128xi32, #tpu.memory_space<vmem>> -> memref<1x128xi32, #tpu.memory_space<vmem>>
      %dma_wait3A_53 = tpu.memref_squeeze %dma_wait3A_52 : memref<1x128xi32, #tpu.memory_space<vmem>> -> memref<128xi32, #tpu.memory_space<vmem>>
      %dma_wait3A_54 = arith.constant 0 : i32
      %dma_wait3A_55 = arith.constant 0 : i32
      %dma_wait3A_56 = tpu.memref_slice %arg2[%dma_wait3A_54, %dma_wait3A_55] : memref<10240x128xf32, #tpu.memory_space<hbm>> -> memref<10240x128xf32, #tpu.memory_space<hbm>>
      tpu.wait_indirect_dma semaphore(%arg9 : memref<!tpu.dma_semaphore, #tpu.memory_space<semaphore_mem>>) src(%dma_wait3A_56 : memref<10240x128xf32, #tpu.memory_space<hbm>>) dst(%arg8 : memref<128x128xf32, #tpu.memory_space<vmem>>)
      %run_scoped3A = arith.constant 1 : i32
      "tpu.region"() ({
        %run_scoped3A_57 = tpu.sem_alloc : memref<!tpu.dma_semaphore, #tpu.memory_space<semaphore_mem>>
        %dma_start3A_58 = arith.constant 0 : i32
        %dma_start3A_59 = tpu.memref_slice %arg7[%run_scoped3A, %dma_start3A_58] : memref<2x128xi32, #tpu.memory_space<vmem>> -> memref<1x128xi32, #tpu.memory_space<vmem>>
        %dma_start3A_60 = tpu.memref_squeeze %dma_start3A_59 : memref<1x128xi32, #tpu.memory_space<vmem>> -> memref<128xi32, #tpu.memory_space<vmem>>
        %dma_start3A_61 = arith.constant 0 : i32
        %dma_start3A_62 = arith.constant 0 : i32
        %dma_start3A_63 = tpu.memref_slice %arg6[%dma_start3A_61, %dma_start3A_62] : memref<10240x128xf32, #tpu.memory_space<vmem_shared>> -> memref<10240x128xf32, #tpu.memory_space<vmem_shared>>
        tpu.enqueue_indirect_dma source(%arg8 : memref<128x128xf32, #tpu.memory_space<vmem>>) target(%dma_start3A_63 : memref<10240x128xf32, #tpu.memory_space<vmem_shared>>) offsets(%dma_start3A_60 : memref<128xi32, #tpu.memory_space<vmem>>) semaphore(%run_scoped3A_57 : memref<!tpu.dma_semaphore, #tpu.memory_space<semaphore_mem>>) {add = true}
        %dma_wait3A_64 = arith.constant 0 : i32
        %dma_wait3A_65 = tpu.memref_slice %arg7[%run_scoped3A, %dma_wait3A_64] : memref<2x128xi32, #tpu.memory_space<vmem>> -> memref<1x128xi32, #tpu.memory_space<vmem>>
        %dma_wait3A_66 = tpu.memref_squeeze %dma_wait3A_65 : memref<1x128xi32, #tpu.memory_space<vmem>> -> memref<128xi32, #tpu.memory_space<vmem>>
        %dma_wait3A_67 = arith.constant 0 : i32
        %dma_wait3A_68 = arith.constant 0 : i32
        %dma_wait3A_69 = tpu.memref_slice %arg6[%dma_wait3A_67, %dma_wait3A_68] : memref<10240x128xf32, #tpu.memory_space<vmem_shared>> -> memref<10240x128xf32, #tpu.memory_space<vmem_shared>>
        tpu.wait_indirect_dma semaphore(%run_scoped3A_57 : memref<!tpu.dma_semaphore, #tpu.memory_space<semaphore_mem>>) src(%arg8 : memref<128x128xf32, #tpu.memory_space<vmem>>) dst(%dma_wait3A_69 : memref<10240x128xf32, #tpu.memory_space<vmem_shared>>)
        tpu.yield
      }) : () -> ()
    }
    %while3A_19 = arith.constant 1 : i32
    scf.for %while3A_36 = %while3A_17 to %while3A_13 step %while3A_19  : i32 {
      %mul3A_37 = arith.constant 1250 : i32
      %mul3A_38 = arith.muli %arg0, %mul3A_37 : i32
      %add3A_39 = arith.addi %mul3A_38, %arg1 : i32
      %mul3A_40 = arith.constant 16 : i32
      %mul3A_41 = arith.muli %while3A_36, %mul3A_40 : i32
      %add3A_42 = arith.addi %add3A_39, %mul3A_41 : i32
      %mul3A_43 = arith.constant 2 : i32
      %mul3A_44 = arith.muli %mul3A_43, %add3A_42 : i32
      "tpu.region"() ({
        %run_scoped3A_57 = tpu.sem_alloc : memref<!tpu.dma_semaphore, #tpu.memory_space<semaphore_mem>>
        %dma_start3A_58 = arith.constant 0 : i32
        %dma_start3A_59 = tpu.memref_slice %arg4[%mul3A_44, %dma_start3A_58] : memref<5000x128xi32, #tpu.memory_space<hbm>> -> memref<2x128xi32, #tpu.memory_space<hbm>>
        %dma_start3A_60 = arith.constant 0 : i32
        %dma_start3A_61 = tpu.memref_slice %arg4[%mul3A_44, %dma_start3A_60] : memref<5000x128xi32, #tpu.memory_space<hbm>> -> memref<2x128xi32, #tpu.memory_space<hbm>>
        tpu.enqueue_dma source(%dma_start3A_61 : memref<2x128xi32, #tpu.memory_space<hbm>>) target(%arg7 : memref<2x128xi32, #tpu.memory_space<vmem>>) target_semaphore(%run_scoped3A_57 : memref<!tpu.dma_semaphore, #tpu.memory_space<semaphore_mem>>)
        %dma_wait3A_62 = arith.constant 0 : i32
        %dma_wait3A_63 = tpu.memref_slice %arg4[%mul3A_44, %dma_wait3A_62] : memref<5000x128xi32, #tpu.memory_space<hbm>> -> memref<2x128xi32, #tpu.memory_space<hbm>>
        %dma_wait3A_64 = arith.constant 0 : i32
        %dma_wait3A_65 = tpu.memref_slice %arg4[%mul3A_44, %dma_wait3A_64] : memref<5000x128xi32, #tpu.memory_space<hbm>> -> memref<2x128xi32, #tpu.memory_space<hbm>>
        tpu.wait_dma2 semaphore(%run_scoped3A_57 : memref<!tpu.dma_semaphore, #tpu.memory_space<semaphore_mem>>) src(%dma_wait3A_65 : memref<2x128xi32, #tpu.memory_space<hbm>>) dst(%arg7 : memref<2x128xi32, #tpu.memory_space<vmem>>)
        tpu.yield
      }) : () -> ()
      %dma_start3A = arith.constant 0 : i32
      %dma_start3A_45 = arith.constant 0 : i32
      %dma_start3A_46 = tpu.memref_slice %arg7[%dma_start3A, %dma_start3A_45] : memref<2x128xi32, #tpu.memory_space<vmem>> -> memref<1x128xi32, #tpu.memory_space<vmem>>
      %dma_start3A_47 = tpu.memref_squeeze %dma_start3A_46 : memref<1x128xi32, #tpu.memory_space<vmem>> -> memref<128xi32, #tpu.memory_space<vmem>>
      %dma_start3A_48 = arith.constant 0 : i32
      %dma_start3A_49 = arith.constant 0 : i32
      %dma_start3A_50 = tpu.memref_slice %arg2[%dma_start3A_48, %dma_start3A_49] : memref<10240x128xf32, #tpu.memory_space<hbm>> -> memref<10240x128xf32, #tpu.memory_space<hbm>>
      tpu.enqueue_indirect_dma source(%dma_start3A_50 : memref<10240x128xf32, #tpu.memory_space<hbm>>) target(%arg8 : memref<128x128xf32, #tpu.memory_space<vmem>>) offsets(%dma_start3A_47 : memref<128xi32, #tpu.memory_space<vmem>>) semaphore(%arg9 : memref<!tpu.dma_semaphore, #tpu.memory_space<semaphore_mem>>)
      %dma_wait3A = arith.constant 0 : i32
      %dma_wait3A_51 = arith.constant 0 : i32
      %dma_wait3A_52 = tpu.memref_slice %arg7[%dma_wait3A, %dma_wait3A_51] : memref<2x128xi32, #tpu.memory_space<vmem>> -> memref<1x128xi32, #tpu.memory_space<vmem>>
      %dma_wait3A_53 = tpu.memref_squeeze %dma_wait3A_52 : memref<1x128xi32, #tpu.memory_space<vmem>> -> memref<128xi32, #tpu.memory_space<vmem>>
      %dma_wait3A_54 = arith.constant 0 : i32
      %dma_wait3A_55 = arith.constant 0 : i32
      %dma_wait3A_56 = tpu.memref_slice %arg2[%dma_wait3A_54, %dma_wait3A_55] : memref<10240x128xf32, #tpu.memory_space<hbm>> -> memref<10240x128xf32, #tpu.memory_space<hbm>>
      tpu.wait_indirect_dma semaphore(%arg9 : memref<!tpu.dma_semaphore, #tpu.memory_space<semaphore_mem>>) src(%dma_wait3A_56 : memref<10240x128xf32, #tpu.memory_space<hbm>>) dst(%arg8 : memref<128x128xf32, #tpu.memory_space<vmem>>)
      %run_scoped3A = arith.constant 1 : i32
      "tpu.region"() ({
        %run_scoped3A_57 = tpu.sem_alloc : memref<!tpu.dma_semaphore, #tpu.memory_space<semaphore_mem>>
        %dma_start3A_58 = arith.constant 0 : i32
        %dma_start3A_59 = tpu.memref_slice %arg7[%run_scoped3A, %dma_start3A_58] : memref<2x128xi32, #tpu.memory_space<vmem>> -> memref<1x128xi32, #tpu.memory_space<vmem>>
        %dma_start3A_60 = tpu.memref_squeeze %dma_start3A_59 : memref<1x128xi32, #tpu.memory_space<vmem>> -> memref<128xi32, #tpu.memory_space<vmem>>
        %dma_start3A_61 = arith.constant 0 : i32
        %dma_start3A_62 = arith.constant 0 : i32
        %dma_start3A_63 = tpu.memref_slice %arg6[%dma_start3A_61, %dma_start3A_62] : memref<10240x128xf32, #tpu.memory_space<vmem_shared>> -> memref<10240x128xf32, #tpu.memory_space<vmem_shared>>
        tpu.enqueue_indirect_dma source(%arg8 : memref<128x128xf32, #tpu.memory_space<vmem>>) target(%dma_start3A_63 : memref<10240x128xf32, #tpu.memory_space<vmem_shared>>) offsets(%dma_start3A_60 : memref<128xi32, #tpu.memory_space<vmem>>) semaphore(%run_scoped3A_57 : memref<!tpu.dma_semaphore, #tpu.memory_space<semaphore_mem>>) {add = true}
        %dma_wait3A_64 = arith.constant 0 : i32
        %dma_wait3A_65 = tpu.memref_slice %arg7[%run_scoped3A, %dma_wait3A_64] : memref<2x128xi32, #tpu.memory_space<vmem>> -> memref<1x128xi32, #tpu.memory_space<vmem>>
        %dma_wait3A_66 = tpu.memref_squeeze %dma_wait3A_65 : memref<1x128xi32, #tpu.memory_space<vmem>> -> memref<128xi32, #tpu.memory_space<vmem>>
        %dma_wait3A_67 = arith.constant 0 : i32
        %dma_wait3A_68 = arith.constant 0 : i32
        %dma_wait3A_69 = tpu.memref_slice %arg6[%dma_wait3A_67, %dma_wait3A_68] : memref<10240x128xf32, #tpu.memory_space<vmem_shared>> -> memref<10240x128xf32, #tpu.memory_space<vmem_shared>>
        tpu.wait_indirect_dma semaphore(%run_scoped3A_57 : memref<!tpu.dma_semaphore, #tpu.memory_space<semaphore_mem>>) src(%arg8 : memref<128x128xf32, #tpu.memory_space<vmem>>) dst(%dma_wait3A_69 : memref<10240x128xf32, #tpu.memory_space<vmem_shared>>)
        tpu.yield
      }) : () -> ()
    }
    %barrier3A_20 = arith.constant 0 : index
    tpu.barrier barrier_id(%barrier3A_20)
    %broadcast_in_dim3A = arith.constant 0 : i32
    %broadcast_in_dim3A_21 = vector.broadcast %broadcast_in_dim3A : i32 to vector<16xi32>
    %scan3A = arith.constant 0 : i32
    %scan3A_22 = arith.constant 512 : i32
    %scan3A_23 = arith.addi %scan3A, %scan3A_22 : i32
    %scan3A_24 = arith.constant 1 : i32
    %scan3A_25 = scf.for %scan3A_36 = %scan3A to %scan3A_23 step %scan3A_24 iter_args(%scan3A_37 = %broadcast_in_dim3A_21) -> (vector<16xi32>)  : i32 {
      %mul3A_38 = arith.constant 3 : i32
      %mul3A_39 = vector.broadcast %mul3A_38 : i32 to vector<16xi32>
      %mul3A_40 = arith.muli %scan3A_37, %mul3A_39 : vector<16xi32>
      %add3A_41 = arith.constant 1 : i32
      %add3A_42 = vector.broadcast %add3A_41 : i32 to vector<16xi32>
      %add3A_43 = arith.addi %mul3A_40, %add3A_42 : vector<16xi32>
      scf.yield %add3A_43 : vector<16xi32>
    }
    %scan3A_26 = arith.constant 512 : i32
    %swap3A = arith.constant 0 : i32
    %swap3A_27 = arith.constant 0 : i32
    %swap3A_28 = tpu.memref_slice %arg7[%swap3A, %swap3A_27] : memref<2x128xi32, #tpu.memory_space<vmem>> -> memref<1x128xi32, #tpu.memory_space<vmem>>
    %swap3A_29 = tpu.memref_squeeze %swap3A_28 : memref<1x128xi32, #tpu.memory_space<vmem>> -> memref<128xi32, #tpu.memory_space<vmem>>
    %swap3A_30 = arith.constant 0 : index
    %swap3A_31 = tpu.vector_load %swap3A_29[%swap3A_30] {strides = array<i32>} : memref<128xi32, #tpu.memory_space<vmem>>, vector<16xi32>,
    tpu.vector_store %swap3A_29[%swap3A_30], %scan3A_25 {strides = array<i32>} : memref<128xi32, #tpu.memory_space<vmem>>, vector<16xi32>,
    %barrier3A_32 = arith.constant 0 : index
    tpu.barrier barrier_id(%barrier3A_32)
    %mul3A_33 = arith.constant 10240 : i32
    %mul3A_34 = arith.muli %arg0, %mul3A_33 : i32
    %add3A_35 = arith.addi %mul3A_34, %mul3A_0 : i32
    "tpu.region"() ({
      %run_scoped3A = tpu.sem_alloc : memref<!tpu.dma_semaphore, #tpu.memory_space<semaphore_mem>>
      %dma_start3A = arith.constant 0 : i32
      %dma_start3A_36 = tpu.memref_slice %arg5[%add3A_35, %dma_start3A] : memref<20480x128xf32, #tpu.memory_space<hbm>> -> memref<640x128xf32, #tpu.memory_space<hbm>>
      %dma_start3A_37 = arith.constant 0 : i32
      %dma_start3A_38 = tpu.memref_slice %arg6[%mul3A_0, %dma_start3A_37] : memref<10240x128xf32, #tpu.memory_space<vmem_shared>> -> memref<640x128xf32, #tpu.memory_space<vmem_shared>>
      tpu.enqueue_dma source(%dma_start3A_38 : memref<640x128xf32, #tpu.memory_space<vmem_shared>>) target(%dma_start3A_36 : memref<640x128xf32, #tpu.memory_space<hbm>>) target_semaphore(%run_scoped3A : memref<!tpu.dma_semaphore, #tpu.memory_space<semaphore_mem>>)
      %dma_wait3A = arith.constant 0 : i32
      %dma_wait3A_39 = tpu.memref_slice %arg5[%add3A_35, %dma_wait3A] : memref<20480x128xf32, #tpu.memory_space<hbm>> -> memref<640x128xf32, #tpu.memory_space<hbm>>
      %dma_wait3A_40 = arith.constant 0 : i32
      %dma_wait3A_41 = tpu.memref_slice %arg6[%mul3A_0, %dma_wait3A_40] : memref<10240x128xf32, #tpu.memory_space<vmem_shared>> -> memref<640x128xf32, #tpu.memory_space<vmem_shared>>
      tpu.wait_dma2 semaphore(%run_scoped3A : memref<!tpu.dma_semaphore, #tpu.memory_space<semaphore_mem>>) src(%dma_wait3A_41 : memref<640x128xf32, #tpu.memory_space<vmem_shared>>) dst(%dma_wait3A_39 : memref<640x128xf32, #tpu.memory_space<hbm>>)
      tpu.yield
    }) : () -> ()
    return
  }
}

#map = affine_map<(d0, d1) -> (0, 0)>
module attributes {stable_mosaic.version = 14 : i64} {
  func.func @_agg2_body(%arg0: i32, %arg1: i32, %arg2: memref<20480x128xf32, #tpu.memory_space<hbm>>, %arg3: memref<10000x128xi32, #tpu.memory_space<hbm>>, %arg4: memref<20480x128xf32, #tpu.memory_space<hbm>>, %arg5: memref<10240x128xf32, #tpu.memory_space<vmem_shared>>, %arg6: memref<2x128xi32, #tpu.memory_space<vmem>>, %arg7: memref<128x128xf32, #tpu.memory_space<vmem>>, %arg8: memref<!tpu.dma_semaphore, #tpu.memory_space<semaphore_mem>>) attributes {dimension_semantics = [#tpu.dimension_semantics<core_parallel>, #tpu.dimension_semantics<subcore_parallel>], iteration_bounds = array<i64: 2, 16>, scalar_prefetch = 0 : i64, scratch_operands = 4 : i64, tpu.core_type = #tpu.core_type<sc_vector_subcore>, window_params = [{transform_indices = #map}, {transform_indices = #map}, {transform_indices = #map}]} {
    %mul3A = arith.constant 640 : i32
    %mul3A_0 = arith.muli %arg1, %mul3A : i32
    %mul3A_1 = arith.constant 10240 : i32
    %mul3A_2 = arith.muli %arg0, %mul3A_1 : i32
    %add3A = arith.addi %mul3A_2, %mul3A_0 : i32
    "tpu.region"() ({
      %run_scoped3A = tpu.sem_alloc : memref<!tpu.dma_semaphore, #tpu.memory_space<semaphore_mem>>
      %dma_start3A = arith.constant 0 : i32
      %dma_start3A_32 = tpu.memref_slice %arg5[%mul3A_0, %dma_start3A] : memref<10240x128xf32, #tpu.memory_space<vmem_shared>> -> memref<640x128xf32, #tpu.memory_space<vmem_shared>>
      %dma_start3A_33 = arith.constant 0 : i32
      %dma_start3A_34 = tpu.memref_slice %arg2[%add3A, %dma_start3A_33] : memref<20480x128xf32, #tpu.memory_space<hbm>> -> memref<640x128xf32, #tpu.memory_space<hbm>>
      tpu.enqueue_dma source(%dma_start3A_34 : memref<640x128xf32, #tpu.memory_space<hbm>>) target(%dma_start3A_32 : memref<640x128xf32, #tpu.memory_space<vmem_shared>>) target_semaphore(%run_scoped3A : memref<!tpu.dma_semaphore, #tpu.memory_space<semaphore_mem>>)
      %dma_wait3A = arith.constant 0 : i32
      %dma_wait3A_35 = tpu.memref_slice %arg5[%mul3A_0, %dma_wait3A] : memref<10240x128xf32, #tpu.memory_space<vmem_shared>> -> memref<640x128xf32, #tpu.memory_space<vmem_shared>>
      %dma_wait3A_36 = arith.constant 0 : i32
      %dma_wait3A_37 = tpu.memref_slice %arg2[%add3A, %dma_wait3A_36] : memref<20480x128xf32, #tpu.memory_space<hbm>> -> memref<640x128xf32, #tpu.memory_space<hbm>>
      tpu.wait_dma2 semaphore(%run_scoped3A : memref<!tpu.dma_semaphore, #tpu.memory_space<semaphore_mem>>) src(%dma_wait3A_37 : memref<640x128xf32, #tpu.memory_space<hbm>>) dst(%dma_wait3A_35 : memref<640x128xf32, #tpu.memory_space<vmem_shared>>)
      tpu.yield
    }) : () -> ()
    %barrier3A = arith.constant 0 : index
    tpu.barrier barrier_id(%barrier3A)
    %lt3A = arith.constant 4 : i32
    %lt3A_3 = arith.cmpi slt, %arg1, %lt3A : i32
    %jit3A = arith.constant 1 : i32
    %jit3A_4 = arith.constant 0 : i32
    %select_n3A = arith.select %lt3A_3, %jit3A, %jit3A_4 : i32
    %add3A_5 = arith.constant 156 : i32
    %add3A_6 = arith.addi %add3A_5, %select_n3A : i32
    %while3A = arith.constant 0 : i32
    %while3A_7 = arith.constant 0 : i32
    %while3A_8 = arith.subi %add3A_6, %while3A_7 : i32
    %while3A_9 = arith.addi %while3A_7, %while3A_8 : i32
    %while3A_10 = arith.constant 1 : i32
    %while3A_11 = arith.divsi %while3A_8, %while3A_10 : i32
    %while3A_12 = arith.muli %while3A_11, %while3A_10 : i32
    %while3A_13 = arith.addi %while3A_7, %while3A_12 : i32
    %while3A_14 = arith.constant 1 : i32
    scf.for %while3A_32 = %while3A_7 to %while3A_13 step %while3A_14  : i32 {
      %mul3A_33 = arith.constant 16 : i32
      %mul3A_34 = arith.muli %while3A_32, %mul3A_33 : i32
      %add3A_35 = arith.addi %arg1, %mul3A_34 : i32
      %mul3A_36 = arith.constant 2500 : i32
      %mul3A_37 = arith.muli %arg0, %mul3A_36 : i32
      %add3A_38 = arith.addi %mul3A_37, %add3A_35 : i32
      %mul3A_39 = arith.constant 2 : i32
      %mul3A_40 = arith.muli %mul3A_39, %add3A_38 : i32
      "tpu.region"() ({
        %run_scoped3A_53 = tpu.sem_alloc : memref<!tpu.dma_semaphore, #tpu.memory_space<semaphore_mem>>
        %dma_start3A_54 = arith.constant 0 : i32
        %dma_start3A_55 = tpu.memref_slice %arg3[%mul3A_40, %dma_start3A_54] : memref<10000x128xi32, #tpu.memory_space<hbm>> -> memref<2x128xi32, #tpu.memory_space<hbm>>
        %dma_start3A_56 = arith.constant 0 : i32
        %dma_start3A_57 = tpu.memref_slice %arg3[%mul3A_40, %dma_start3A_56] : memref<10000x128xi32, #tpu.memory_space<hbm>> -> memref<2x128xi32, #tpu.memory_space<hbm>>
        tpu.enqueue_dma source(%dma_start3A_57 : memref<2x128xi32, #tpu.memory_space<hbm>>) target(%arg6 : memref<2x128xi32, #tpu.memory_space<vmem>>) target_semaphore(%run_scoped3A_53 : memref<!tpu.dma_semaphore, #tpu.memory_space<semaphore_mem>>)
        %dma_wait3A_58 = arith.constant 0 : i32
        %dma_wait3A_59 = tpu.memref_slice %arg3[%mul3A_40, %dma_wait3A_58] : memref<10000x128xi32, #tpu.memory_space<hbm>> -> memref<2x128xi32, #tpu.memory_space<hbm>>
        %dma_wait3A_60 = arith.constant 0 : i32
        %dma_wait3A_61 = tpu.memref_slice %arg3[%mul3A_40, %dma_wait3A_60] : memref<10000x128xi32, #tpu.memory_space<hbm>> -> memref<2x128xi32, #tpu.memory_space<hbm>>
        tpu.wait_dma2 semaphore(%run_scoped3A_53 : memref<!tpu.dma_semaphore, #tpu.memory_space<semaphore_mem>>) src(%dma_wait3A_61 : memref<2x128xi32, #tpu.memory_space<hbm>>) dst(%arg6 : memref<2x128xi32, #tpu.memory_space<vmem>>)
        tpu.yield
      }) : () -> ()
      %dma_start3A = arith.constant 0 : i32
      %dma_start3A_41 = arith.constant 0 : i32
      %dma_start3A_42 = tpu.memref_slice %arg6[%dma_start3A, %dma_start3A_41] : memref<2x128xi32, #tpu.memory_space<vmem>> -> memref<1x128xi32, #tpu.memory_space<vmem>>
      %dma_start3A_43 = tpu.memref_squeeze %dma_start3A_42 : memref<1x128xi32, #tpu.memory_space<vmem>> -> memref<128xi32, #tpu.memory_space<vmem>>
      %dma_start3A_44 = arith.constant 0 : i32
      %dma_start3A_45 = arith.constant 0 : i32
      %dma_start3A_46 = tpu.memref_slice %arg2[%dma_start3A_44, %dma_start3A_45] : memref<20480x128xf32, #tpu.memory_space<hbm>> -> memref<20480x128xf32, #tpu.memory_space<hbm>>
      tpu.enqueue_indirect_dma source(%dma_start3A_46 : memref<20480x128xf32, #tpu.memory_space<hbm>>) target(%arg7 : memref<128x128xf32, #tpu.memory_space<vmem>>) offsets(%dma_start3A_43 : memref<128xi32, #tpu.memory_space<vmem>>) semaphore(%arg8 : memref<!tpu.dma_semaphore, #tpu.memory_space<semaphore_mem>>)
      %dma_wait3A = arith.constant 0 : i32
      %dma_wait3A_47 = arith.constant 0 : i32
      %dma_wait3A_48 = tpu.memref_slice %arg6[%dma_wait3A, %dma_wait3A_47] : memref<2x128xi32, #tpu.memory_space<vmem>> -> memref<1x128xi32, #tpu.memory_space<vmem>>
      %dma_wait3A_49 = tpu.memref_squeeze %dma_wait3A_48 : memref<1x128xi32, #tpu.memory_space<vmem>> -> memref<128xi32, #tpu.memory_space<vmem>>
      %dma_wait3A_50 = arith.constant 0 : i32
      %dma_wait3A_51 = arith.constant 0 : i32
      %dma_wait3A_52 = tpu.memref_slice %arg2[%dma_wait3A_50, %dma_wait3A_51] : memref<20480x128xf32, #tpu.memory_space<hbm>> -> memref<20480x128xf32, #tpu.memory_space<hbm>>
      tpu.wait_indirect_dma semaphore(%arg8 : memref<!tpu.dma_semaphore, #tpu.memory_space<semaphore_mem>>) src(%dma_wait3A_52 : memref<20480x128xf32, #tpu.memory_space<hbm>>) dst(%arg7 : memref<128x128xf32, #tpu.memory_space<vmem>>)
      %run_scoped3A = arith.constant 1 : i32
      "tpu.region"() ({
        %run_scoped3A_53 = tpu.sem_alloc : memref<!tpu.dma_semaphore, #tpu.memory_space<semaphore_mem>>
        %dma_start3A_54 = arith.constant 0 : i32
        %dma_start3A_55 = tpu.memref_slice %arg6[%run_scoped3A, %dma_start3A_54] : memref<2x128xi32, #tpu.memory_space<vmem>> -> memref<1x128xi32, #tpu.memory_space<vmem>>
        %dma_start3A_56 = tpu.memref_squeeze %dma_start3A_55 : memref<1x128xi32, #tpu.memory_space<vmem>> -> memref<128xi32, #tpu.memory_space<vmem>>
        %dma_start3A_57 = arith.constant 0 : i32
        %dma_start3A_58 = arith.constant 0 : i32
        %dma_start3A_59 = tpu.memref_slice %arg5[%dma_start3A_57, %dma_start3A_58] : memref<10240x128xf32, #tpu.memory_space<vmem_shared>> -> memref<10240x128xf32, #tpu.memory_space<vmem_shared>>
        tpu.enqueue_indirect_dma source(%arg7 : memref<128x128xf32, #tpu.memory_space<vmem>>) target(%dma_start3A_59 : memref<10240x128xf32, #tpu.memory_space<vmem_shared>>) offsets(%dma_start3A_56 : memref<128xi32, #tpu.memory_space<vmem>>) semaphore(%run_scoped3A_53 : memref<!tpu.dma_semaphore, #tpu.memory_space<semaphore_mem>>) {add = true}
        %dma_wait3A_60 = arith.constant 0 : i32
        %dma_wait3A_61 = tpu.memref_slice %arg6[%run_scoped3A, %dma_wait3A_60] : memref<2x128xi32, #tpu.memory_space<vmem>> -> memref<1x128xi32, #tpu.memory_space<vmem>>
        %dma_wait3A_62 = tpu.memref_squeeze %dma_wait3A_61 : memref<1x128xi32, #tpu.memory_space<vmem>> -> memref<128xi32, #tpu.memory_space<vmem>>
        %dma_wait3A_63 = arith.constant 0 : i32
        %dma_wait3A_64 = arith.constant 0 : i32
        %dma_wait3A_65 = tpu.memref_slice %arg5[%dma_wait3A_63, %dma_wait3A_64] : memref<10240x128xf32, #tpu.memory_space<vmem_shared>> -> memref<10240x128xf32, #tpu.memory_space<vmem_shared>>
        tpu.wait_indirect_dma semaphore(%run_scoped3A_53 : memref<!tpu.dma_semaphore, #tpu.memory_space<semaphore_mem>>) src(%arg7 : memref<128x128xf32, #tpu.memory_space<vmem>>) dst(%dma_wait3A_65 : memref<10240x128xf32, #tpu.memory_space<vmem_shared>>)
        tpu.yield
      }) : () -> ()
    }
    %while3A_15 = arith.constant 1 : i32
    scf.for %while3A_32 = %while3A_13 to %while3A_9 step %while3A_15  : i32 {
      %mul3A_33 = arith.constant 16 : i32
      %mul3A_34 = arith.muli %while3A_32, %mul3A_33 : i32
      %add3A_35 = arith.addi %arg1, %mul3A_34 : i32
      %mul3A_36 = arith.constant 2500 : i32
      %mul3A_37 = arith.muli %arg0, %mul3A_36 : i32
      %add3A_38 = arith.addi %mul3A_37, %add3A_35 : i32
      %mul3A_39 = arith.constant 2 : i32
      %mul3A_40 = arith.muli %mul3A_39, %add3A_38 : i32
      "tpu.region"() ({
        %run_scoped3A_53 = tpu.sem_alloc : memref<!tpu.dma_semaphore, #tpu.memory_space<semaphore_mem>>
        %dma_start3A_54 = arith.constant 0 : i32
        %dma_start3A_55 = tpu.memref_slice %arg3[%mul3A_40, %dma_start3A_54] : memref<10000x128xi32, #tpu.memory_space<hbm>> -> memref<2x128xi32, #tpu.memory_space<hbm>>
        %dma_start3A_56 = arith.constant 0 : i32
        %dma_start3A_57 = tpu.memref_slice %arg3[%mul3A_40, %dma_start3A_56] : memref<10000x128xi32, #tpu.memory_space<hbm>> -> memref<2x128xi32, #tpu.memory_space<hbm>>
        tpu.enqueue_dma source(%dma_start3A_57 : memref<2x128xi32, #tpu.memory_space<hbm>>) target(%arg6 : memref<2x128xi32, #tpu.memory_space<vmem>>) target_semaphore(%run_scoped3A_53 : memref<!tpu.dma_semaphore, #tpu.memory_space<semaphore_mem>>)
        %dma_wait3A_58 = arith.constant 0 : i32
        %dma_wait3A_59 = tpu.memref_slice %arg3[%mul3A_40, %dma_wait3A_58] : memref<10000x128xi32, #tpu.memory_space<hbm>> -> memref<2x128xi32, #tpu.memory_space<hbm>>
        %dma_wait3A_60 = arith.constant 0 : i32
        %dma_wait3A_61 = tpu.memref_slice %arg3[%mul3A_40, %dma_wait3A_60] : memref<10000x128xi32, #tpu.memory_space<hbm>> -> memref<2x128xi32, #tpu.memory_space<hbm>>
        tpu.wait_dma2 semaphore(%run_scoped3A_53 : memref<!tpu.dma_semaphore, #tpu.memory_space<semaphore_mem>>) src(%dma_wait3A_61 : memref<2x128xi32, #tpu.memory_space<hbm>>) dst(%arg6 : memref<2x128xi32, #tpu.memory_space<vmem>>)
        tpu.yield
      }) : () -> ()
      %dma_start3A = arith.constant 0 : i32
      %dma_start3A_41 = arith.constant 0 : i32
      %dma_start3A_42 = tpu.memref_slice %arg6[%dma_start3A, %dma_start3A_41] : memref<2x128xi32, #tpu.memory_space<vmem>> -> memref<1x128xi32, #tpu.memory_space<vmem>>
      %dma_start3A_43 = tpu.memref_squeeze %dma_start3A_42 : memref<1x128xi32, #tpu.memory_space<vmem>> -> memref<128xi32, #tpu.memory_space<vmem>>
      %dma_start3A_44 = arith.constant 0 : i32
      %dma_start3A_45 = arith.constant 0 : i32
      %dma_start3A_46 = tpu.memref_slice %arg2[%dma_start3A_44, %dma_start3A_45] : memref<20480x128xf32, #tpu.memory_space<hbm>> -> memref<20480x128xf32, #tpu.memory_space<hbm>>
      tpu.enqueue_indirect_dma source(%dma_start3A_46 : memref<20480x128xf32, #tpu.memory_space<hbm>>) target(%arg7 : memref<128x128xf32, #tpu.memory_space<vmem>>) offsets(%dma_start3A_43 : memref<128xi32, #tpu.memory_space<vmem>>) semaphore(%arg8 : memref<!tpu.dma_semaphore, #tpu.memory_space<semaphore_mem>>)
      %dma_wait3A = arith.constant 0 : i32
      %dma_wait3A_47 = arith.constant 0 : i32
      %dma_wait3A_48 = tpu.memref_slice %arg6[%dma_wait3A, %dma_wait3A_47] : memref<2x128xi32, #tpu.memory_space<vmem>> -> memref<1x128xi32, #tpu.memory_space<vmem>>
      %dma_wait3A_49 = tpu.memref_squeeze %dma_wait3A_48 : memref<1x128xi32, #tpu.memory_space<vmem>> -> memref<128xi32, #tpu.memory_space<vmem>>
      %dma_wait3A_50 = arith.constant 0 : i32
      %dma_wait3A_51 = arith.constant 0 : i32
      %dma_wait3A_52 = tpu.memref_slice %arg2[%dma_wait3A_50, %dma_wait3A_51] : memref<20480x128xf32, #tpu.memory_space<hbm>> -> memref<20480x128xf32, #tpu.memory_space<hbm>>
      tpu.wait_indirect_dma semaphore(%arg8 : memref<!tpu.dma_semaphore, #tpu.memory_space<semaphore_mem>>) src(%dma_wait3A_52 : memref<20480x128xf32, #tpu.memory_space<hbm>>) dst(%arg7 : memref<128x128xf32, #tpu.memory_space<vmem>>)
      %run_scoped3A = arith.constant 1 : i32
      "tpu.region"() ({
        %run_scoped3A_53 = tpu.sem_alloc : memref<!tpu.dma_semaphore, #tpu.memory_space<semaphore_mem>>
        %dma_start3A_54 = arith.constant 0 : i32
        %dma_start3A_55 = tpu.memref_slice %arg6[%run_scoped3A, %dma_start3A_54] : memref<2x128xi32, #tpu.memory_space<vmem>> -> memref<1x128xi32, #tpu.memory_space<vmem>>
        %dma_start3A_56 = tpu.memref_squeeze %dma_start3A_55 : memref<1x128xi32, #tpu.memory_space<vmem>> -> memref<128xi32, #tpu.memory_space<vmem>>
        %dma_start3A_57 = arith.constant 0 : i32
        %dma_start3A_58 = arith.constant 0 : i32
        %dma_start3A_59 = tpu.memref_slice %arg5[%dma_start3A_57, %dma_start3A_58] : memref<10240x128xf32, #tpu.memory_space<vmem_shared>> -> memref<10240x128xf32, #tpu.memory_space<vmem_shared>>
        tpu.enqueue_indirect_dma source(%arg7 : memref<128x128xf32, #tpu.memory_space<vmem>>) target(%dma_start3A_59 : memref<10240x128xf32, #tpu.memory_space<vmem_shared>>) offsets(%dma_start3A_56 : memref<128xi32, #tpu.memory_space<vmem>>) semaphore(%run_scoped3A_53 : memref<!tpu.dma_semaphore, #tpu.memory_space<semaphore_mem>>) {add = true}
        %dma_wait3A_60 = arith.constant 0 : i32
        %dma_wait3A_61 = tpu.memref_slice %arg6[%run_scoped3A, %dma_wait3A_60] : memref<2x128xi32, #tpu.memory_space<vmem>> -> memref<1x128xi32, #tpu.memory_space<vmem>>
        %dma_wait3A_62 = tpu.memref_squeeze %dma_wait3A_61 : memref<1x128xi32, #tpu.memory_space<vmem>> -> memref<128xi32, #tpu.memory_space<vmem>>
        %dma_wait3A_63 = arith.constant 0 : i32
        %dma_wait3A_64 = arith.constant 0 : i32
        %dma_wait3A_65 = tpu.memref_slice %arg5[%dma_wait3A_63, %dma_wait3A_64] : memref<10240x128xf32, #tpu.memory_space<vmem_shared>> -> memref<10240x128xf32, #tpu.memory_space<vmem_shared>>
        tpu.wait_indirect_dma semaphore(%run_scoped3A_53 : memref<!tpu.dma_semaphore, #tpu.memory_space<semaphore_mem>>) src(%arg7 : memref<128x128xf32, #tpu.memory_space<vmem>>) dst(%dma_wait3A_65 : memref<10240x128xf32, #tpu.memory_space<vmem_shared>>)
        tpu.yield
      }) : () -> ()
    }
    %barrier3A_16 = arith.constant 0 : index
    tpu.barrier barrier_id(%barrier3A_16)
    %broadcast_in_dim3A = arith.constant 0 : i32
    %broadcast_in_dim3A_17 = vector.broadcast %broadcast_in_dim3A : i32 to vector<16xi32>
    %scan3A = arith.constant 0 : i32
    %scan3A_18 = arith.constant 512 : i32
    %scan3A_19 = arith.addi %scan3A, %scan3A_18 : i32
    %scan3A_20 = arith.constant 1 : i32
    %scan3A_21 = scf.for %scan3A_32 = %scan3A to %scan3A_19 step %scan3A_20 iter_args(%scan3A_33 = %broadcast_in_dim3A_17) -> (vector<16xi32>)  : i32 {
      %mul3A_34 = arith.constant 3 : i32
      %mul3A_35 = vector.broadcast %mul3A_34 : i32 to vector<16xi32>
      %mul3A_36 = arith.muli %scan3A_33, %mul3A_35 : vector<16xi32>
      %add3A_37 = arith.constant 1 : i32
      %add3A_38 = vector.broadcast %add3A_37 : i32 to vector<16xi32>
      %add3A_39 = arith.addi %mul3A_36, %add3A_38 : vector<16xi32>
      scf.yield %add3A_39 : vector<16xi32>
    }
    %scan3A_22 = arith.constant 512 : i32
    %swap3A = arith.constant 0 : i32
    %swap3A_23 = arith.constant 0 : i32
    %swap3A_24 = tpu.memref_slice %arg6[%swap3A, %swap3A_23] : memref<2x128xi32, #tpu.memory_space<vmem>> -> memref<1x128xi32, #tpu.memory_space<vmem>>
    %swap3A_25 = tpu.memref_squeeze %swap3A_24 : memref<1x128xi32, #tpu.memory_space<vmem>> -> memref<128xi32, #tpu.memory_space<vmem>>
    %swap3A_26 = arith.constant 0 : index
    %swap3A_27 = tpu.vector_load %swap3A_25[%swap3A_26] {strides = array<i32>} : memref<128xi32, #tpu.memory_space<vmem>>, vector<16xi32>,
    tpu.vector_store %swap3A_25[%swap3A_26], %scan3A_21 {strides = array<i32>} : memref<128xi32, #tpu.memory_space<vmem>>, vector<16xi32>,
    %barrier3A_28 = arith.constant 0 : index
    tpu.barrier barrier_id(%barrier3A_28)
    %mul3A_29 = arith.constant 10240 : i32
    %mul3A_30 = arith.muli %arg0, %mul3A_29 : i32
    %add3A_31 = arith.addi %mul3A_30, %mul3A_0 : i32
    "tpu.region"() ({
      %run_scoped3A = tpu.sem_alloc : memref<!tpu.dma_semaphore, #tpu.memory_space<semaphore_mem>>
      %dma_start3A = arith.constant 0 : i32
      %dma_start3A_32 = tpu.memref_slice %arg4[%add3A_31, %dma_start3A] : memref<20480x128xf32, #tpu.memory_space<hbm>> -> memref<640x128xf32, #tpu.memory_space<hbm>>
      %dma_start3A_33 = arith.constant 0 : i32
      %dma_start3A_34 = tpu.memref_slice %arg5[%mul3A_0, %dma_start3A_33] : memref<10240x128xf32, #tpu.memory_space<vmem_shared>> -> memref<640x128xf32, #tpu.memory_space<vmem_shared>>
      tpu.enqueue_dma source(%dma_start3A_34 : memref<640x128xf32, #tpu.memory_space<vmem_shared>>) target(%dma_start3A_32 : memref<640x128xf32, #tpu.memory_space<hbm>>) target_semaphore(%run_scoped3A : memref<!tpu.dma_semaphore, #tpu.memory_space<semaphore_mem>>)
      %dma_wait3A = arith.constant 0 : i32
      %dma_wait3A_35 = tpu.memref_slice %arg4[%add3A_31, %dma_wait3A] : memref<20480x128xf32, #tpu.memory_space<hbm>> -> memref<640x128xf32, #tpu.memory_space<hbm>>
      %dma_wait3A_36 = arith.constant 0 : i32
      %dma_wait3A_37 = tpu.memref_slice %arg5[%mul3A_0, %dma_wait3A_36] : memref<10240x128xf32, #tpu.memory_space<vmem_shared>> -> memref<640x128xf32, #tpu.memory_space<vmem_shared>>
      tpu.wait_dma2 semaphore(%run_scoped3A : memref<!tpu.dma_semaphore, #tpu.memory_space<semaphore_mem>>) src(%dma_wait3A_37 : memref<640x128xf32, #tpu.memory_space<vmem_shared>>) dst(%dma_wait3A_35 : memref<640x128xf32, #tpu.memory_space<hbm>>)
      tpu.yield
    }) : () -> ()
    return
  }
}

module attributes {stable_mosaic.version = 14 : i64} {
  func.func @_stage1_body(%arg0: i32, %arg1: memref<1024x128xf32, #tpu.memory_space<vmem>>, %arg2: memref<128x128xf32, #tpu.memory_space<vmem>>, %arg3: memref<32x1024xf32, #tpu.memory_space<vmem>>, %arg4: memref<1024x128xf32, #tpu.memory_space<vmem>>) attributes {dimension_semantics = [#tpu.dimension_semantics<arbitrary>], iteration_bounds = array<i64: 10>, scalar_prefetch = 0 : i64, scratch_operands = 0 : i64, tpu.core_type = #tpu.core_type<tc>, window_params = [{transform_indices = @transform_0, window_bounds = array<i64: 1024, 128>}, {pipeline_mode = #tpu.pipeline_mode<synchronous>, transform_indices = @transform_1, window_bounds = array<i64: 128, 128>}, {transform_indices = @transform_2, window_bounds = array<i64: 32, 1024>}, {transform_indices = @transform_3, window_bounds = array<i64: 1024, 128>}]} {
    %get3A = arith.constant 0 : index
    %get3A_0 = arith.constant 0 : index
    %get3A_1 = vector.load %arg1[%get3A, %get3A_0] : memref<1024x128xf32, #tpu.memory_space<vmem>>, vector<1024x128xf32>
    %get3A_2 = arith.constant 0 : index
    %get3A_3 = arith.constant 0 : index
    %get3A_4 = vector.load %arg2[%get3A_2, %get3A_3] : memref<128x128xf32, #tpu.memory_space<vmem>>, vector<128x128xf32>
    %dot_general3A = arith.constant dense<0.000000e+00> : vector<1024x128xf32>
    %dot_general3A_5 = tpu.matmul %get3A_1, %get3A_4, %dot_general3A {dimension_numbers = #tpu.dot_dimension_numbers<[1], [0], [0], [1], [0, 0, 1, 1], [], []>, transpose_lhs_hint = false} : vector<1024x128xf32>, vector<128x128xf32>, vector<1024x128xf32> -> vector<1024x128xf32>
    %get3A_6 = arith.constant 0 : index
    %get3A_7 = arith.constant 0 : index
    %get3A_8 = vector.load %arg3[%get3A_6, %get3A_7] : memref<32x1024xf32, #tpu.memory_space<vmem>>, vector<32x1024xf32>
    %reduce_sum3A = arith.constant dense<0.000000e+00> : vector<1024xf32>
    %reduce_sum3A_9 = vector.multi_reduction <add>, %get3A_8, %reduce_sum3A [0] : vector<32x1024xf32> to vector<1024xf32>
    %add3A = arith.constant 1.000000e+00 : f32
    %add3A_10 = vector.broadcast %add3A : f32 to vector<1024xf32>
    %add3A_11 = arith.addf %reduce_sum3A_9, %add3A_10 : vector<1024xf32>
    %rsqrt3A = math.rsqrt %add3A_11 : vector<1024xf32>
    %broadcast_in_dim3A = vector.shape_cast %rsqrt3A : vector<1024xf32> to vector<1024x1xf32>
    %mul3A = vector.broadcast %broadcast_in_dim3A : vector<1024x1xf32> to vector<1024x128xf32>
    %mul3A_12 = arith.mulf %dot_general3A_5, %mul3A : vector<1024x128xf32>
    %swap3A = arith.constant 0 : index
    %swap3A_13 = arith.constant 0 : index
    %swap3A_14 = vector.load %arg4[%swap3A, %swap3A_13] : memref<1024x128xf32, #tpu.memory_space<vmem>>, vector<1024x128xf32>
    tpu.vector_store %arg4[%swap3A, %swap3A_13], %mul3A_12 {strides = array<i32>} : memref<1024x128xf32, #tpu.memory_space<vmem>>, vector<1024x128xf32>,
    return
  }
  func.func @transform_0(%arg0: i32) -> (i32, i32) {
    %c0_i32 = arith.constant 0 : i32
    %c0_i32_0 = arith.constant 0 : i32
    return %arg0, %c0_i32 : i32, i32
  }
  func.func @transform_1(%arg0: i32) -> (i32, i32) {
    %c0_i32 = arith.constant 0 : i32
    %c0_i32_0 = arith.constant 0 : i32
    %c0_i32_1 = arith.constant 0 : i32
    return %c0_i32, %c0_i32_0 : i32, i32
  }
  func.func @transform_2(%arg0: i32) -> (i32, i32) {
    %c0_i32 = arith.constant 0 : i32
    %c0_i32_0 = arith.constant 0 : i32
    return %c0_i32, %arg0 : i32, i32
  }
  func.func @transform_3(%arg0: i32) -> (i32, i32) {
    %c0_i32 = arith.constant 0 : i32
    %c0_i32_0 = arith.constant 0 : i32
    return %arg0, %c0_i32 : i32, i32
  }
}

module attributes {stable_mosaic.version = 14 : i64} {
  func.func @_pool_body(%arg0: i32, %arg1: memref<1024x128xf32, #tpu.memory_space<vmem>>, %arg2: memref<1024x128xf32, #tpu.memory_space<vmem>>, %arg3: memref<32x1024xf32, #tpu.memory_space<vmem>>, %arg4: memref<1x128xf32, #tpu.memory_space<vmem>>, %arg5: memref<1x1x1024xi32, #tpu.memory_space<vmem>>, %arg6: memref<128x256xf32, #tpu.memory_space<vmem>>, %arg7: memref<64x128xf32, #tpu.memory_space<vmem>>, %arg8: memref<64x128xf32, #tpu.memory_space<vmem>>, %arg9: memref<2x1024x128xf32, #tpu.memory_space<vmem>>) attributes {dimension_semantics = [#tpu.dimension_semantics<arbitrary>], iteration_bounds = array<i64: 10>, scalar_prefetch = 0 : i64, scratch_operands = 0 : i64, tpu.core_type = #tpu.core_type<tc>, window_params = [{transform_indices = @transform_0, window_bounds = array<i64: 1024, 128>}, {transform_indices = @transform_1, window_bounds = array<i64: 1024, 128>}, {transform_indices = @transform_2, window_bounds = array<i64: 32, 1024>}, {pipeline_mode = #tpu.pipeline_mode<synchronous>, transform_indices = @transform_3, window_bounds = array<i64: 1, 128>}, {transform_indices = @transform_4, window_bounds = array<i64: 1, 1, 1024>}, {pipeline_mode = #tpu.pipeline_mode<synchronous>, transform_indices = @transform_5, window_bounds = array<i64: 128, 256>}, {pipeline_mode = #tpu.pipeline_mode<synchronous>, transform_indices = @transform_6, window_bounds = array<i64: 64, 128>}, {pipeline_mode = #tpu.pipeline_mode<synchronous>, transform_indices = @transform_7, window_bounds = array<i64: 64, 128>}, {transform_indices = @transform_8, window_bounds = array<i64: 2, 1024, 128>}]} {
    %get3A = arith.constant 0 : index
    %get3A_0 = arith.constant 0 : index
    %get3A_1 = vector.load %arg1[%get3A, %get3A_0] : memref<1024x128xf32, #tpu.memory_space<vmem>>, vector<1024x128xf32>
    %get3A_2 = arith.constant 0 : index
    %get3A_3 = arith.constant 0 : index
    %get3A_4 = vector.load %arg2[%get3A_2, %get3A_3] : memref<1024x128xf32, #tpu.memory_space<vmem>>, vector<1024x128xf32>
    %add3A = arith.addf %get3A_1, %get3A_4 : vector<1024x128xf32>
    %get3A_5 = arith.constant 0 : index
    %get3A_6 = arith.constant 0 : index
    %get3A_7 = vector.load %arg3[%get3A_5, %get3A_6] : memref<32x1024xf32, #tpu.memory_space<vmem>>, vector<32x1024xf32>
    %reduce_sum3A = arith.constant dense<0.000000e+00> : vector<1024xf32>
    %reduce_sum3A_8 = vector.multi_reduction <add>, %get3A_7, %reduce_sum3A [0] : vector<32x1024xf32> to vector<1024xf32>
    %add3A_9 = arith.constant 1.000000e+00 : f32
    %add3A_10 = vector.broadcast %add3A_9 : f32 to vector<1024xf32>
    %add3A_11 = arith.addf %reduce_sum3A_8, %add3A_10 : vector<1024xf32>
    %rsqrt3A = math.rsqrt %add3A_11 : vector<1024xf32>
    %broadcast_in_dim3A = vector.shape_cast %rsqrt3A : vector<1024xf32> to vector<1024x1xf32>
    %mul3A = vector.broadcast %broadcast_in_dim3A : vector<1024x1xf32> to vector<1024x128xf32>
    %mul3A_12 = arith.mulf %add3A, %mul3A : vector<1024x128xf32>
    %get3A_13 = arith.constant 0 : index
    %get3A_14 = arith.constant 0 : index
    %get3A_15 = vector.load %arg4[%get3A_13, %get3A_14] : memref<1x128xf32, #tpu.memory_space<vmem>>, vector<1x128xf32>
    %add3A_16 = vector.broadcast %get3A_15 : vector<1x128xf32> to vector<1024x128xf32>
    %add3A_17 = arith.addf %mul3A_12, %add3A_16 : vector<1024x128xf32>
    %max3A = arith.constant 0.000000e+00 : f32
    %max3A_18 = vector.broadcast %max3A : f32 to vector<1024x128xf32>
    %max3A_19 = arith.maximumf %add3A_17, %max3A_18 : vector<1024x128xf32>
    %get3A_20 = arith.constant 0 : index
    %get3A_21 = arith.constant 0 : index
    %get3A_22 = arith.constant 0 : index
    %get3A_23 = vector.load %arg5[%get3A_20, %get3A_21, %get3A_22] : memref<1x1x1024xi32, #tpu.memory_space<vmem>>, vector<1x1x1024xi32>
    %get3A_24 = vector.shape_cast %get3A_23 : vector<1x1x1024xi32> to vector<1024xi32>
    %iota3A = tpu.iota {dimensions = array<i32: 0>} : vector<64x1024xi32>
    %broadcast_in_dim3A_25 = vector.shape_cast %get3A_24 : vector<1024xi32> to vector<1x1024xi32>
    %eq3A = vector.broadcast %broadcast_in_dim3A_25 : vector<1x1024xi32> to vector<64x1024xi32>
    %eq3A_26 = arith.cmpi eq, %iota3A, %eq3A : vector<64x1024xi32>
    %convert_element_type3A = arith.extui %eq3A_26 : vector<64x1024xi1> to vector<64x1024xi32>
    %convert_element_type3A_27 = arith.sitofp %convert_element_type3A : vector<64x1024xi32> to vector<64x1024xf32>
    %dot_general3A = arith.constant dense<0.000000e+00> : vector<64x128xf32>
    %dot_general3A_28 = tpu.matmul %convert_element_type3A_27, %max3A_19, %dot_general3A {dimension_numbers = #tpu.dot_dimension_numbers<[1], [0], [0], [1], [0, 0, 1, 1], [], []>, transpose_lhs_hint = false} : vector<64x1024xf32>, vector<1024x128xf32>, vector<64x128xf32> -> vector<64x128xf32>
    %reduce_sum3A_29 = arith.constant dense<0.000000e+00> : vector<64xf32>
    %reduce_sum3A_30 = vector.multi_reduction <add>, %convert_element_type3A_27, %reduce_sum3A_29 [1] : vector<64x1024xf32> to vector<64xf32>
    %broadcast_in_dim3A_31 = vector.shape_cast %reduce_sum3A_30 : vector<64xf32> to vector<64x1xf32>
    %broadcast_in_dim3A_32 = vector.shape_cast %broadcast_in_dim3A_31 : vector<64x1xf32> to vector<64x1xf32>
    %broadcast_in_dim3A_33 = vector.broadcast %broadcast_in_dim3A_32 : vector<64x1xf32> to vector<64x128xf32>
    %eq3A_34 = arith.constant 0 : i32
    %eq3A_35 = arith.cmpi eq, %arg0, %eq3A_34 : i32
    %convert_element_type3A_36 = arith.extui %eq3A_35 : i1 to i32
    %cond3A = arith.constant 0 : i32
    %cond3A_37 = arith.cmpi ne, %convert_element_type3A_36, %cond3A : i32
    scf.if %cond3A_37 {
      %swap3A_67 = arith.constant 0 : index
      %swap3A_68 = arith.constant 0 : index
      %swap3A_69 = vector.load %arg7[%swap3A_67, %swap3A_68] : memref<64x128xf32, #tpu.memory_space<vmem>>, vector<64x128xf32>
      tpu.vector_store %arg7[%swap3A_67, %swap3A_68], %dot_general3A_28 {strides = array<i32>} : memref<64x128xf32, #tpu.memory_space<vmem>>, vector<64x128xf32>,
      %swap3A_70 = arith.constant 0 : index
      %swap3A_71 = arith.constant 0 : index
      %swap3A_72 = vector.load %arg8[%swap3A_70, %swap3A_71] : memref<64x128xf32, #tpu.memory_space<vmem>>, vector<64x128xf32>
      tpu.vector_store %arg8[%swap3A_70, %swap3A_71], %broadcast_in_dim3A_33 {strides = array<i32>} : memref<64x128xf32, #tpu.memory_space<vmem>>, vector<64x128xf32>,
    } else {
    }
    %gt3A = arith.constant 0 : i32
    %gt3A_38 = arith.cmpi sgt, %arg0, %gt3A : i32
    %convert_element_type3A_39 = arith.extui %gt3A_38 : i1 to i32
    %cond3A_40 = arith.constant 0 : i32
    %cond3A_41 = arith.cmpi ne, %convert_element_type3A_39, %cond3A_40 : i32
    scf.if %cond3A_41 {
      %get3A_67 = arith.constant 0 : index
      %get3A_68 = arith.constant 0 : index
      %get3A_69 = vector.load %arg7[%get3A_67, %get3A_68] : memref<64x128xf32, #tpu.memory_space<vmem>>, vector<64x128xf32>
      %add3A_70 = arith.addf %get3A_69, %dot_general3A_28 : vector<64x128xf32>
      %swap3A_71 = arith.constant 0 : index
      %swap3A_72 = arith.constant 0 : index
      %swap3A_73 = vector.load %arg7[%swap3A_71, %swap3A_72] : memref<64x128xf32, #tpu.memory_space<vmem>>, vector<64x128xf32>
      tpu.vector_store %arg7[%swap3A_71, %swap3A_72], %add3A_70 {strides = array<i32>} : memref<64x128xf32, #tpu.memory_space<vmem>>, vector<64x128xf32>,
      %get3A_74 = arith.constant 0 : index
      %get3A_75 = arith.constant 0 : index
      %get3A_76 = vector.load %arg8[%get3A_74, %get3A_75] : memref<64x128xf32, #tpu.memory_space<vmem>>, vector<64x128xf32>
      %add3A_77 = arith.addf %get3A_76, %broadcast_in_dim3A_33 : vector<64x128xf32>
      %swap3A_78 = arith.constant 0 : index
      %swap3A_79 = arith.constant 0 : index
      %swap3A_80 = vector.load %arg8[%swap3A_78, %swap3A_79] : memref<64x128xf32, #tpu.memory_space<vmem>>, vector<64x128xf32>
      tpu.vector_store %arg8[%swap3A_78, %swap3A_79], %add3A_77 {strides = array<i32>} : memref<64x128xf32, #tpu.memory_space<vmem>>, vector<64x128xf32>,
    } else {
    }
    %get3A_42 = arith.constant 0 : index
    %get3A_43 = arith.constant 0 : index
    %get3A_44 = vector.load %arg6[%get3A_42, %get3A_43] : memref<128x256xf32, #tpu.memory_space<vmem>>, vector<128x256xf32>
    %dot_general3A_45 = arith.constant dense<0.000000e+00> : vector<1024x256xf32>
    %dot_general3A_46 = tpu.matmul %max3A_19, %get3A_44, %dot_general3A_45 {dimension_numbers = #tpu.dot_dimension_numbers<[1], [0], [0], [1], [0, 0, 1, 1], [], []>, transpose_lhs_hint = false} : vector<1024x128xf32>, vector<128x256xf32>, vector<1024x256xf32> -> vector<1024x256xf32>
    %broadcast_in_dim3A_47 = vector.shape_cast %rsqrt3A : vector<1024xf32> to vector<1024x1xf32>
    %mul3A_48 = vector.broadcast %broadcast_in_dim3A_47 : vector<1024x1xf32> to vector<1024x256xf32>
    %mul3A_49 = arith.mulf %dot_general3A_46, %mul3A_48 : vector<1024x256xf32>
    %slice3A = vector.extract_strided_slice %mul3A_49 {offsets = [0, 0], sizes = [1024, 128], strides = [1, 1]} : vector<1024x256xf32> to vector<1024x128xf32>
    %swap3A = arith.constant 0 : index
    %swap3A_50 = arith.constant 0 : index
    %swap3A_51 = arith.constant 0 : index
    %swap3A_52 = vector.load %arg9[%swap3A, %swap3A_50, %swap3A_51] : memref<2x1024x128xf32, #tpu.memory_space<vmem>>, vector<1x1024x128xf32>
    %swap3A_53 = vector.shape_cast %swap3A_52 : vector<1x1024x128xf32> to vector<1024x128xf32>
    %swap3A_54 = vector.shape_cast %slice3A : vector<1024x128xf32> to vector<1x1024x128xf32>
    tpu.vector_store %arg9[%swap3A, %swap3A_50, %swap3A_51], %swap3A_54 {strides = array<i32>} : memref<2x1024x128xf32, #tpu.memory_space<vmem>>, vector<1x1024x128xf32>,
    %slice3A_55 = vector.extract_strided_slice %mul3A_49 {offsets = [0, 128], sizes = [1024, 128], strides = [1, 1]} : vector<1024x256xf32> to vector<1024x128xf32>
    %swap3A_56 = arith.constant 1 : index
    %swap3A_57 = arith.constant 0 : index
    %swap3A_58 = arith.constant 0 : index
    %swap3A_59 = vector.load %arg9[%swap3A_56, %swap3A_57, %swap3A_58] : memref<2x1024x128xf32, #tpu.memory_space<vmem>>, vector<1x1024x128xf32>
    %swap3A_60 = vector.shape_cast %swap3A_59 : vector<1x1024x128xf32> to vector<1024x128xf32>
    %swap3A_61 = vector.shape_cast %slice3A_55 : vector<1024x128xf32> to vector<1x1024x128xf32>
    tpu.vector_store %arg9[%swap3A_56, %swap3A_57, %swap3A_58], %swap3A_61 {strides = array<i32>} : memref<2x1024x128xf32, #tpu.memory_space<vmem>>, vector<1x1024x128xf32>,
    %eq3A_62 = arith.constant 9 : i32
    %eq3A_63 = arith.cmpi eq, %arg0, %eq3A_62 : i32
    %convert_element_type3A_64 = arith.extui %eq3A_63 : i1 to i32
    %cond3A_65 = arith.constant 0 : i32
    %cond3A_66 = arith.cmpi ne, %convert_element_type3A_64, %cond3A_65 : i32
    scf.if %cond3A_66 {
      %get3A_67 = arith.constant 0 : index
      %get3A_68 = arith.constant 0 : index
      %get3A_69 = vector.load %arg7[%get3A_67, %get3A_68] : memref<64x128xf32, #tpu.memory_space<vmem>>, vector<64x128xf32>
      %get3A_70 = arith.constant 0 : index
      %get3A_71 = arith.constant 0 : index
      %get3A_72 = vector.load %arg8[%get3A_70, %get3A_71] : memref<64x128xf32, #tpu.memory_space<vmem>>, vector<64x128xf32>
      %max3A_73 = arith.constant 1.000000e+00 : f32
      %max3A_74 = vector.broadcast %max3A_73 : f32 to vector<64x128xf32>
      %max3A_75 = arith.maximumf %get3A_72, %max3A_74 : vector<64x128xf32>
      %div3A = arith.divf %get3A_69, %max3A_75 : vector<64x128xf32>
      %swap3A_76 = arith.constant 0 : index
      %swap3A_77 = arith.constant 0 : index
      %swap3A_78 = vector.load %arg7[%swap3A_76, %swap3A_77] : memref<64x128xf32, #tpu.memory_space<vmem>>, vector<64x128xf32>
      tpu.vector_store %arg7[%swap3A_76, %swap3A_77], %div3A {strides = array<i32>} : memref<64x128xf32, #tpu.memory_space<vmem>>, vector<64x128xf32>,
    } else {
    }
    return
  }
  func.func @transform_0(%arg0: i32) -> (i32, i32) {
    %c0_i32 = arith.constant 0 : i32
    %c0_i32_0 = arith.constant 0 : i32
    return %arg0, %c0_i32 : i32, i32
  }
  func.func @transform_1(%arg0: i32) -> (i32, i32) {
    %c0_i32 = arith.constant 0 : i32
    %c0_i32_0 = arith.constant 0 : i32
    return %arg0, %c0_i32 : i32, i32
  }
  func.func @transform_2(%arg0: i32) -> (i32, i32) {
    %c0_i32 = arith.constant 0 : i32
    %c0_i32_0 = arith.constant 0 : i32
    return %c0_i32, %arg0 : i32, i32
  }
  func.func @transform_3(%arg0: i32) -> (i32, i32) {
    %c0_i32 = arith.constant 0 : i32
    %c0_i32_0 = arith.constant 0 : i32
    %c0_i32_1 = arith.constant 0 : i32
    return %c0_i32, %c0_i32_0 : i32, i32
  }
  func.func @transform_4(%arg0: i32) -> (i32, i32, i32) {
    %c0_i32 = arith.constant 0 : i32
    %c0_i32_0 = arith.constant 0 : i32
    %c0_i32_1 = arith.constant 0 : i32
    return %arg0, %c0_i32, %c0_i32_0 : i32, i32, i32
  }
  func.func @transform_5(%arg0: i32) -> (i32, i32) {
    %c0_i32 = arith.constant 0 : i32
    %c0_i32_0 = arith.constant 0 : i32
    %c0_i32_1 = arith.constant 0 : i32
    return %c0_i32, %c0_i32_0 : i32, i32
  }
  func.func @transform_6(%arg0: i32) -> (i32, i32) {
    %c0_i32 = arith.constant 0 : i32
    %c0_i32_0 = arith.constant 0 : i32
    %c0_i32_1 = arith.constant 0 : i32
    return %c0_i32, %c0_i32_0 : i32, i32
  }
  func.func @transform_7(%arg0: i32) -> (i32, i32) {
    %c0_i32 = arith.constant 0 : i32
    %c0_i32_0 = arith.constant 0 : i32
    %c0_i32_1 = arith.constant 0 : i32
    return %c0_i32, %c0_i32_0 : i32, i32
  }
  func.func @transform_8(%arg0: i32) -> (i32, i32, i32) {
    %c0_i32 = arith.constant 0 : i32
    %c0_i32_0 = arith.constant 0 : i32
    %c0_i32_1 = arith.constant 0 : i32
    return %c0_i32, %arg0, %c0_i32_0 : i32, i32, i32
  }
}

module attributes {stable_mosaic.version = 14 : i64} {
  func.func @_pool_body(%arg0: i32, %arg1: memref<1024x128xf32, #tpu.memory_space<vmem>>, %arg2: memref<1024x128xf32, #tpu.memory_space<vmem>>, %arg3: memref<32x1024xf32, #tpu.memory_space<vmem>>, %arg4: memref<1x256xf32, #tpu.memory_space<vmem>>, %arg5: memref<1x1x1024xi32, #tpu.memory_space<vmem>>, %arg6: memref<64x256xf32, #tpu.memory_space<vmem>>, %arg7: memref<64x256xf32, #tpu.memory_space<vmem>>) attributes {dimension_semantics = [#tpu.dimension_semantics<arbitrary>], iteration_bounds = array<i64: 10>, scalar_prefetch = 0 : i64, scratch_operands = 0 : i64, tpu.core_type = #tpu.core_type<tc>, window_params = [{transform_indices = @transform_0, window_bounds = array<i64: 1024, 128>}, {transform_indices = @transform_1, window_bounds = array<i64: 1024, 128>}, {transform_indices = @transform_2, window_bounds = array<i64: 32, 1024>}, {pipeline_mode = #tpu.pipeline_mode<synchronous>, transform_indices = @transform_3, window_bounds = array<i64: 1, 256>}, {transform_indices = @transform_4, window_bounds = array<i64: 1, 1, 1024>}, {pipeline_mode = #tpu.pipeline_mode<synchronous>, transform_indices = @transform_5, window_bounds = array<i64: 64, 256>}, {pipeline_mode = #tpu.pipeline_mode<synchronous>, transform_indices = @transform_6, window_bounds = array<i64: 64, 256>}]} {
    %get3A = arith.constant 0 : index
    %get3A_0 = arith.constant 0 : index
    %get3A_1 = vector.load %arg1[%get3A, %get3A_0] : memref<1024x128xf32, #tpu.memory_space<vmem>>, vector<1024x128xf32>
    %get3A_2 = arith.constant 0 : index
    %get3A_3 = arith.constant 0 : index
    %get3A_4 = vector.load %arg2[%get3A_2, %get3A_3] : memref<1024x128xf32, #tpu.memory_space<vmem>>, vector<1024x128xf32>
    %concatenate3A = tpu.concatenate %get3A_1, %get3A_4 in 1 : vector<1024x128xf32>, vector<1024x128xf32> -> vector<1024x256xf32>
    %get3A_5 = arith.constant 0 : index
    %get3A_6 = arith.constant 0 : index
    %get3A_7 = vector.load %arg3[%get3A_5, %get3A_6] : memref<32x1024xf32, #tpu.memory_space<vmem>>, vector<32x1024xf32>
    %reduce_sum3A = arith.constant dense<0.000000e+00> : vector<1024xf32>
    %reduce_sum3A_8 = vector.multi_reduction <add>, %get3A_7, %reduce_sum3A [0] : vector<32x1024xf32> to vector<1024xf32>
    %add3A = arith.constant 1.000000e+00 : f32
    %add3A_9 = vector.broadcast %add3A : f32 to vector<1024xf32>
    %add3A_10 = arith.addf %reduce_sum3A_8, %add3A_9 : vector<1024xf32>
    %rsqrt3A = math.rsqrt %add3A_10 : vector<1024xf32>
    %broadcast_in_dim3A = vector.shape_cast %rsqrt3A : vector<1024xf32> to vector<1024x1xf32>
    %mul3A = vector.broadcast %broadcast_in_dim3A : vector<1024x1xf32> to vector<1024x256xf32>
    %mul3A_11 = arith.mulf %concatenate3A, %mul3A : vector<1024x256xf32>
    %get3A_12 = arith.constant 0 : index
    %get3A_13 = arith.constant 0 : index
    %get3A_14 = vector.load %arg4[%get3A_12, %get3A_13] : memref<1x256xf32, #tpu.memory_space<vmem>>, vector<1x256xf32>
    %add3A_15 = vector.broadcast %get3A_14 : vector<1x256xf32> to vector<1024x256xf32>
    %add3A_16 = arith.addf %mul3A_11, %add3A_15 : vector<1024x256xf32>
    %max3A = arith.constant 0.000000e+00 : f32
    %max3A_17 = vector.broadcast %max3A : f32 to vector<1024x256xf32>
    %max3A_18 = arith.maximumf %add3A_16, %max3A_17 : vector<1024x256xf32>
    %get3A_19 = arith.constant 0 : index
    %get3A_20 = arith.constant 0 : index
    %get3A_21 = arith.constant 0 : index
    %get3A_22 = vector.load %arg5[%get3A_19, %get3A_20, %get3A_21] : memref<1x1x1024xi32, #tpu.memory_space<vmem>>, vector<1x1x1024xi32>
    %get3A_23 = vector.shape_cast %get3A_22 : vector<1x1x1024xi32> to vector<1024xi32>
    %iota3A = tpu.iota {dimensions = array<i32: 0>} : vector<64x1024xi32>
    %broadcast_in_dim3A_24 = vector.shape_cast %get3A_23 : vector<1024xi32> to vector<1x1024xi32>
    %eq3A = vector.broadcast %broadcast_in_dim3A_24 : vector<1x1024xi32> to vector<64x1024xi32>
    %eq3A_25 = arith.cmpi eq, %iota3A, %eq3A : vector<64x1024xi32>
    %convert_element_type3A = arith.extui %eq3A_25 : vector<64x1024xi1> to vector<64x1024xi32>
    %convert_element_type3A_26 = arith.sitofp %convert_element_type3A : vector<64x1024xi32> to vector<64x1024xf32>
    %dot_general3A = arith.constant dense<0.000000e+00> : vector<64x256xf32>
    %dot_general3A_27 = tpu.matmul %convert_element_type3A_26, %max3A_18, %dot_general3A {dimension_numbers = #tpu.dot_dimension_numbers<[1], [0], [0], [1], [0, 0, 1, 1], [], []>, transpose_lhs_hint = false} : vector<64x1024xf32>, vector<1024x256xf32>, vector<64x256xf32> -> vector<64x256xf32>
    %reduce_sum3A_28 = arith.constant dense<0.000000e+00> : vector<64xf32>
    %reduce_sum3A_29 = vector.multi_reduction <add>, %convert_element_type3A_26, %reduce_sum3A_28 [1] : vector<64x1024xf32> to vector<64xf32>
    %broadcast_in_dim3A_30 = vector.shape_cast %reduce_sum3A_29 : vector<64xf32> to vector<64x1xf32>
    %broadcast_in_dim3A_31 = vector.shape_cast %broadcast_in_dim3A_30 : vector<64x1xf32> to vector<64x1xf32>
    %broadcast_in_dim3A_32 = vector.broadcast %broadcast_in_dim3A_31 : vector<64x1xf32> to vector<64x256xf32>
    %eq3A_33 = arith.constant 0 : i32
    %eq3A_34 = arith.cmpi eq, %arg0, %eq3A_33 : i32
    %convert_element_type3A_35 = arith.extui %eq3A_34 : i1 to i32
    %cond3A = arith.constant 0 : i32
    %cond3A_36 = arith.cmpi ne, %convert_element_type3A_35, %cond3A : i32
    scf.if %cond3A_36 {
      %swap3A = arith.constant 0 : index
      %swap3A_46 = arith.constant 0 : index
      %swap3A_47 = vector.load %arg6[%swap3A, %swap3A_46] : memref<64x256xf32, #tpu.memory_space<vmem>>, vector<64x256xf32>
      tpu.vector_store %arg6[%swap3A, %swap3A_46], %dot_general3A_27 {strides = array<i32>} : memref<64x256xf32, #tpu.memory_space<vmem>>, vector<64x256xf32>,
      %swap3A_48 = arith.constant 0 : index
      %swap3A_49 = arith.constant 0 : index
      %swap3A_50 = vector.load %arg7[%swap3A_48, %swap3A_49] : memref<64x256xf32, #tpu.memory_space<vmem>>, vector<64x256xf32>
      tpu.vector_store %arg7[%swap3A_48, %swap3A_49], %broadcast_in_dim3A_32 {strides = array<i32>} : memref<64x256xf32, #tpu.memory_space<vmem>>, vector<64x256xf32>,
    } else {
    }
    %gt3A = arith.constant 0 : i32
    %gt3A_37 = arith.cmpi sgt, %arg0, %gt3A : i32
    %convert_element_type3A_38 = arith.extui %gt3A_37 : i1 to i32
    %cond3A_39 = arith.constant 0 : i32
    %cond3A_40 = arith.cmpi ne, %convert_element_type3A_38, %cond3A_39 : i32
    scf.if %cond3A_40 {
      %get3A_46 = arith.constant 0 : index
      %get3A_47 = arith.constant 0 : index
      %get3A_48 = vector.load %arg6[%get3A_46, %get3A_47] : memref<64x256xf32, #tpu.memory_space<vmem>>, vector<64x256xf32>
      %add3A_49 = arith.addf %get3A_48, %dot_general3A_27 : vector<64x256xf32>
      %swap3A = arith.constant 0 : index
      %swap3A_50 = arith.constant 0 : index
      %swap3A_51 = vector.load %arg6[%swap3A, %swap3A_50] : memref<64x256xf32, #tpu.memory_space<vmem>>, vector<64x256xf32>
      tpu.vector_store %arg6[%swap3A, %swap3A_50], %add3A_49 {strides = array<i32>} : memref<64x256xf32, #tpu.memory_space<vmem>>, vector<64x256xf32>,
      %get3A_52 = arith.constant 0 : index
      %get3A_53 = arith.constant 0 : index
      %get3A_54 = vector.load %arg7[%get3A_52, %get3A_53] : memref<64x256xf32, #tpu.memory_space<vmem>>, vector<64x256xf32>
      %add3A_55 = arith.addf %get3A_54, %broadcast_in_dim3A_32 : vector<64x256xf32>
      %swap3A_56 = arith.constant 0 : index
      %swap3A_57 = arith.constant 0 : index
      %swap3A_58 = vector.load %arg7[%swap3A_56, %swap3A_57] : memref<64x256xf32, #tpu.memory_space<vmem>>, vector<64x256xf32>
      tpu.vector_store %arg7[%swap3A_56, %swap3A_57], %add3A_55 {strides = array<i32>} : memref<64x256xf32, #tpu.memory_space<vmem>>, vector<64x256xf32>,
    } else {
    }
    %eq3A_41 = arith.constant 9 : i32
    %eq3A_42 = arith.cmpi eq, %arg0, %eq3A_41 : i32
    %convert_element_type3A_43 = arith.extui %eq3A_42 : i1 to i32
    %cond3A_44 = arith.constant 0 : i32
    %cond3A_45 = arith.cmpi ne, %convert_element_type3A_43, %cond3A_44 : i32
    scf.if %cond3A_45 {
      %get3A_46 = arith.constant 0 : index
      %get3A_47 = arith.constant 0 : index
      %get3A_48 = vector.load %arg6[%get3A_46, %get3A_47] : memref<64x256xf32, #tpu.memory_space<vmem>>, vector<64x256xf32>
      %get3A_49 = arith.constant 0 : index
      %get3A_50 = arith.constant 0 : index
      %get3A_51 = vector.load %arg7[%get3A_49, %get3A_50] : memref<64x256xf32, #tpu.memory_space<vmem>>, vector<64x256xf32>
      %max3A_52 = arith.constant 1.000000e+00 : f32
      %max3A_53 = vector.broadcast %max3A_52 : f32 to vector<64x256xf32>
      %max3A_54 = arith.maximumf %get3A_51, %max3A_53 : vector<64x256xf32>
      %div3A = arith.divf %get3A_48, %max3A_54 : vector<64x256xf32>
      %swap3A = arith.constant 0 : index
      %swap3A_55 = arith.constant 0 : index
      %swap3A_56 = vector.load %arg6[%swap3A, %swap3A_55] : memref<64x256xf32, #tpu.memory_space<vmem>>, vector<64x256xf32>
      tpu.vector_store %arg6[%swap3A, %swap3A_55], %div3A {strides = array<i32>} : memref<64x256xf32, #tpu.memory_space<vmem>>, vector<64x256xf32>,
    } else {
    }
    return
  }
  func.func @transform_0(%arg0: i32) -> (i32, i32) {
    %c0_i32 = arith.constant 0 : i32
    %c0_i32_0 = arith.constant 0 : i32
    return %arg0, %c0_i32 : i32, i32
  }
  func.func @transform_1(%arg0: i32) -> (i32, i32) {
    %c0_i32 = arith.constant 0 : i32
    %c0_i32_0 = arith.constant 0 : i32
    return %arg0, %c0_i32 : i32, i32
  }
  func.func @transform_2(%arg0: i32) -> (i32, i32) {
    %c0_i32 = arith.constant 0 : i32
    %c0_i32_0 = arith.constant 0 : i32
    return %c0_i32, %arg0 : i32, i32
  }
  func.func @transform_3(%arg0: i32) -> (i32, i32) {
    %c0_i32 = arith.constant 0 : i32
    %c0_i32_0 = arith.constant 0 : i32
    %c0_i32_1 = arith.constant 0 : i32
    return %c0_i32, %c0_i32_0 : i32, i32
  }
  func.func @transform_4(%arg0: i32) -> (i32, i32, i32) {
    %c0_i32 = arith.constant 0 : i32
    %c0_i32_0 = arith.constant 0 : i32
    %c0_i32_1 = arith.constant 0 : i32
    return %arg0, %c0_i32, %c0_i32_0 : i32, i32, i32
  }
  func.func @transform_5(%arg0: i32) -> (i32, i32) {
    %c0_i32 = arith.constant 0 : i32
    %c0_i32_0 = arith.constant 0 : i32
    %c0_i32_1 = arith.constant 0 : i32
    return %c0_i32, %c0_i32_0 : i32, i32
  }
  func.func @transform_6(%arg0: i32) -> (i32, i32) {
    %c0_i32 = arith.constant 0 : i32
    %c0_i32_0 = arith.constant 0 : i32
    %c0_i32_1 = arith.constant 0 : i32
    return %c0_i32, %c0_i32_0 : i32, i32
  }
}

</mosaic_0001>

<sc_bundles>
// kernel: kernel.11.cloned.1.call-start
scs
__scs_entry_jumppad:
0x0: {  	(pc) =	sbr.rel $0x88, $3  }
0x1: {  	(tag) =	ssettag $0x0;
	lr =	simm.s32 $0x1  }
0x2: {  	[smem:$0x3F9A] =	sst lr;
	_ =	strace $0xD0000000  }
0x3: {  	_ = 	snop  }
0x4: {  	_ = 	snop  }
0x5: {  	_ = 	snop  }
0x6: {  	_ = 	snop  }
0x7: {  	_ = 	snop  }
__scs_overlays_trampoline_lowered:
0x8: {  	[smem:$0x3FA9] =	sst s0  }
0x9: {  	[smem:$0x3FAA] =	sst s1  }
0xa: {  	[smem:$0x3FAB] =	sst s2  }
0xb: {  	[smem:$0x3FAC] =	sst s3  }
0xc: {  	[smem:$0x3FAD] =	sst s4  }
0xd: {  	[smem:$0x3FAE] =	sst s5  }
0xe: {  	[smem:$0x3FAF] =	sst s6  }
0xf: {  	[smem:$0x3FB0] =	sst s7  }
0x10: {  	[smem:$0x3FB1] =	sst s8  }
0x11: {  	[smem:$0x3FB2] =	sst s9;
	s0 =	simm.s32 @!p0 $0x0  }
0x12: {  	s1 =	sld [smem:$0x3F98];
	s0 =	simm.s32 @p0 $0x1  }
0x13: {  	[smem:$0x3FB3] =	sst s0;
	s0 =	simm.s32 @!p1 $0x0  }
0x14: {  	s2 =	sld [smem:$0x3F97];
	s0 =	simm.s32 @p1 $0x1  }
0x15: {  	[smem:$0x3FB4] =	sst s0;
	s0 =	simm.s32 @!p2 $0x0  }
0x16: {  	s3 =	sld [smem:$0x3FDB];
	s0 =	simm.s32 @p2 $0x1  }
0x17: {  	s4 =	simm.s32 $0x1BF5;
	[smem:$0x3FB6] =	sst s0  }
0x18: {  	s0 =	sld [smem:$0x3F99];
	_ =	swait.ge [sflag:s4], $0x0  }
0x19: {  	s7 =	sld [smem:$0x3F9A]  }
0x1a: {  	s8 =	sadd.s32 $0xFFFFE003, lr  }
0x1b: {  	s9 =	sadd.s32 $0xFFFFFEF7, lr;
	s5 =	simm.s32 $0xFFFFFFFF;
	p2 =	slt.u32 s8, $0xFFFFF086  }
0x1c: {  	p1 =	slt.u32 s9, $0xF7A;
	s5 =	simm.s32 @!p2 $0x0  }
0x1d: {  	s5 =	simm.s32 @p1 $0x1;
	p0 =	seq.s32 s7, s2  }
0x1e: {  	s7 =	smul.u32 @!p0 $0xF7A, s2;
	p2 =	seq.s32 @!p0 s5, $0x0  }
0x1f: {  	s9 =	smul.u32 $0xF7A, s1;
	s8 =	simm.s32 @!p0 $0x1BF5;
	p2 =	por !p2, p0  }
0x20: {  	[sflag:s8] =	ssyncset.s32 @!p0 $0xFFFFF086;
	s6 =	sadd.s32 @!p0 s3, s7;
	s7 =	simm.s32 @!p0 $0x108  }
0x21: {  	s3 =	sadd.s32 s3, s9;
	s6 =	sadd.s32 @!p0 $0x88, s6;
	s7 =	simm.s32 @p2 $0x1082  }
0x22: {  	[simem:s7], [sflag:s8] =	dma.local @!p0 [hbm:s6], $0xF7A  }
0x23: {  	s9 =	sor.u32 $0xD0000000, s2;
	s6 =	simm.s32 $0x108;
	_ =	swait.ge @!p0 [sflag:s8], $0x0  }
0x24: {  	s3 =	sadd.s32 $0x88, s3;
	s6 =	simm.s32 @!p1 $0x1082;
	[sflag:s4] =	ssyncset.s32 $0xFFFFF086  }
0x25: {  	[simem:s6], [sflag:s4] =	dma.local [hbm:s3], $0xF7A  }
0x26: {  	[smem:$0x3F9A] =	sst s1;
	(tag) =	ssettag s2;
	_ =	strace s9  }
0x27: {  	s1 =	sld [smem:$0x3FAA]  }
0x28: {  	s2 =	sld [smem:$0x3FAB]  }
0x29: {  	s4 =	sld [smem:$0x3FAD]  }
0x2a: {  	p0 =	seq.s32 s5, $0x0;
	s5 =	sld [smem:$0x3FAE]  }
0x2b: {  	s6 =	sld [smem:$0x3FAF]  }
0x2c: {  	s7 =	sld [smem:$0x3FB0]  }
0x2d: {  	s3 =	simm.s32 $0x108;
	s8 =	sld [smem:$0x3FB1]  }
0x2e: {  	s3 =	simm.s32 @!p0 $0x1082;
	s9 =	sld [smem:$0x3FB2]  }
0x2f: {  	lr =	sadd.s32 s0, s3;
	s0 =	sld [smem:$0x3FA9]  }
0x30: {  	s3 =	sld [smem:$0x3FAC]  }
0x31: {  	[smem:$0x3FB5] =	sst s10  }
0x32: {  	s10 =	sld [smem:$0x3FB3];
	_ =	sdelay $0x3  }
0x33: {  	p0 =	seq.s32 s10, $0x1;
	s10 =	sld [smem:$0x3FB5];
	_ =	sdelay $0x3  }
0x34: {  	[smem:$0x3FB5] =	sst s10  }
0x35: {  	s10 =	sld [smem:$0x3FB4];
	_ =	sdelay $0x3  }
0x36: {  	p1 =	seq.s32 s10, $0x1;
	s10 =	sld [smem:$0x3FB5];
	_ =	sdelay $0x3  }
0x37: {  	[smem:$0x3FB5] =	sst s10  }
0x38: {  	s10 =	sld [smem:$0x3FB6]  }
0x39: {  	_ = 	snop;
	(pc) =	sbr.ind lr, $3  }
0x3a: {  	_ = 	snop  }
0x3b: {  	_ = 	snop  }
0x3c: {  	p2 =	seq.s32 s10, $0x1;
	s10 =	sld [smem:$0x3FB5]  }
0x3d: {  	_ =	shalt  }
0x3e: {  	_ =	shalt  }
0x3f: {  	_ =	shalt  }
0x40: {  	_ =	shalt  }
0x41: {  	_ =	shalt  }
0x42: {  	_ =	shalt  }
0x43: {  	_ =	shalt  }
0x44: {  	_ =	shalt  }
0x45: {  	_ =	shalt  }
0x46: {  	_ =	shalt  }
0x47: {  	_ =	shalt  }
0x48: {  	_ =	shalt  }
0x49: {  	_ =	shalt  }
0x4a: {  	_ =	shalt  }
0x4b: {  	_ =	shalt  }
0x4c: {  	_ =	shalt  }
0x4d: {  	_ =	shalt  }
0x4e: {  	_ =	shalt  }
0x4f: {  	_ =	shalt  }
0x50: {  	_ =	shalt  }
0x51: {  	_ =	shalt  }
0x52: {  	_ =	shalt  }
0x53: {  	_ =	shalt  }
0x54: {  	_ =	shalt  }
0x55: {  	_ =	shalt  }
0x56: {  	_ =	shalt  }
0x57: {  	_ =	shalt  }
0x58: {  	_ =	shalt  }
0x59: {  	_ =	shalt  }
0x5a: {  	_ =	shalt  }
0x5b: {  	_ =	shalt  }
0x5c: {  	_ =	shalt  }
0x5d: {  	_ =	shalt  }
0x5e: {  	_ =	shalt  }
0x5f: {  	_ =	shalt  }
0x60: {  	_ =	shalt  }
0x61: {  	_ =	shalt  }
0x62: {  	_ =	shalt  }
0x63: {  	_ =	shalt  }
0x64: {  	_ =	shalt  }
0x65: {  	_ =	shalt  }
0x66: {  	_ =	shalt  }
0x67: {  	_ =	shalt  }
0x68: {  	_ =	shalt  }
0x69: {  	_ =	shalt  }
0x6a: {  	_ =	shalt  }
0x6b: {  	_ =	shalt  }
0x6c: {  	_ =	shalt  }
0x6d: {  	_ =	shalt  }
0x6e: {  	_ =	shalt  }
0x6f: {  	_ =	shalt  }
0x70: {  	_ =	shalt  }
0x71: {  	_ =	shalt  }
0x72: {  	_ =	shalt  }
0x73: {  	_ =	shalt  }
0x74: {  	_ =	shalt  }
0x75: {  	_ =	shalt  }
0x76: {  	_ =	shalt  }
0x77: {  	_ =	shalt  }
0x78: {  	_ =	shalt  }
0x79: {  	_ =	shalt  }
0x7a: {  	_ =	shalt  }
0x7b: {  	_ =	shalt  }
0x7c: {  	_ =	shalt  }
0x7d: {  	_ =	shalt  }
0x7e: {  	_ =	shalt  }
0x7f: {  	_ =	shalt  }
0x80: {  	_ =	shalt  }
0x81: {  	_ =	shalt  }
0x82: {  	_ =	shalt  }
0x83: {  	_ =	shalt  }
0x84: {  	_ =	shalt  }
0x85: {  	_ =	shalt  }
0x86: {  	_ =	shalt  }
0x87: {  	_ =	shalt  }
.Lfunc_end0:
.L_simem_size_0:
called_computation.1_lowered:
.L_overlay_start_0:
0x88: {  	s2 =	sld [smem:$0x3FD9]  }
0x89: {  	s3 =	sld [smem:$0x3FFE];
	_ =	sdelay $0x1  }
0x8a: {  	s1 =	srdreg.scid  }
0x8b: {  	s0 =	sand.u32 $0x1, s1  }
0x8c: {  	s16 =	sshll.u32 s0, $0xA;
	s2 =	sadd.s32 s3, s2  }
0x8d: {  	s2 =	sadd.s32 s2, s16  }
0x8e: {  	[smem:$0x3FC1] =	sst s2  }
0x8f: {  	_ = 	snop  }
0x90: {  	(tm) =	ssettm $0x1  }
0x91: {  	s17 =	sld [smem:$0x3FFB];
	_ =	sdelay $0x3  }
0x92: {  	_ =	strace s17  }
0x93: {  	s2 =	sld [smem:$0x3FFC];
	_ =	sdelay $0x3  }
0x94: {  	_ =	strace s2  }
0x95: {  	s2 =	sld [smem:$0x3FFD];
	_ =	sdelay $0x3  }
0x96: {  	_ =	strace s2  }
0x97: {  	_ =	strace $0x8FFFFFFF  }
0x98: {  	s18 =	sld [smem:$0x3FDB];
	_ =	sdelay $0x1  }
0x99: {  	s19 =	simm.s32 $_scs_section_size  }
0x9a: {  	s4 =	simm.s32 $_size__tile_overlayer_lowered;
	s5 =	simm.s32 $_tile_overlayer_lowered  }
0x9b: {  	s22 =	simm.s32 $0x1BFF;
	s21 =	sshll.u32 s5, $0x1;
	s2 =	sadd.s32 s19, s18  }
0x9c: {  	s6 =	simm.s32 $0x0;
	s20 =	sshll.u32 s4, $0x1;
	s4 =	sadd.s32 s21, s2  }
0x9d: {  	[timem:s6], [sflag:s22] =	dma.local [hbm:s4], s20  }
0x9e: {  	_ =	swait.ge [sflag:s22], s20  }
0x9f: {  	s3 =	ssub.s32 $0x0, s20;
	[sflag:s22] =	ssyncset.done $0x0  }
0xa0: {  	[sflag:s22] =	ssyncadd.s32 s3;
	_ =	sdelay $0x1  }
0xa1: {  	s23 =	simm.s32 $0x1B8B  }
0xa2: {  	_ =	swait.ge [sflag:s23], $0x1  }
0xa3: {  	[sflag:s23] =	ssyncset.done $0x0  }
0xa4: {  	s25 =	simm.s32 $0x1B8E;
	s24 =	sld [smem:$0x3FFE];
	[sflag:s23] =	ssyncadd.s32 $0xFFFFFFFF  }
0xa5: {  	s26 =	simm.s32 $execute0_lowered;
	[smem:$0x3FD2] =	sst s25  }
0xa6: {  	s4 =	sshll.u32 s26, $0x1;
	_ =	strace $0x80000049;
	[dreg:$0x1] =	wrdreg $0xFFFFFFFF  }
0xa7: {  	s28 =	simm.s32 $_size_execute0_lowered;
	s2 =	sadd.s32 s2, s4;
	[dreg:$0x0] =	wrdreg $0x0  }
0xa8: {  	s4 =	sshll.u32 s28, $0x1;
	[dreg:$0x2] =	wrdreg s2  }
0xa9: {  	[dreg:$0x3] =	wrdreg s4  }
0xaa: {  	[dreg:$0x4] =	wrdreg $0xC0  }
0xab: {  	_ =	task [dreg:s6], $0x5FFFF  }
0xac: {  	[dreg:$0x1] =	wrdreg $0xFFFFFFFF  }
0xad: {  	[dreg:$0x0] =	wrdreg $0x60  }
0xae: {  	[dreg:$0x2] =	wrdreg s24  }
0xaf: {  	[dreg:$0x3] =	wrdreg $0x0  }
0xb0: {  	[dreg:$0x4] =	wrdreg $0x9  }
0xb1: {  	_ =	task.clear_ibuf [dreg:s6], $0x5FFFF;
	_ =	strace $0x90000049  }
0xb2: {  	s29 =	simm.s32 $0x9;
	_ =	strace $0x8000004B  }
0xb3: {  	_ =	swait.ge [sflag:s29], $0x1  }
0xb4: {  	[sflag:s29] =	ssyncadd.s32 $0xFFFFFFFF  }
0xb5: {  	_ =	strace $0x9000004B  }
0xb6: {  	_ =	sfence  }
0xb7: {  	s30 =	sld [smem:$0x0];
	_ =	sdelay $0x2  }
0xb8: {  	s31 =	sshll.u32 s1, $0xD;
	s1 =	sshrl.u32 s1, $0x2  }
0xb9: {  	s3 =	sand.u32 $0x4000, s31;
	s1 =	sadd.s32 s1, s30  }
0xba: {  	s0 =	sor.u32 s3, s0;
	s1 =	sshll.u32 s1, $0x11  }
0xbb: {  	s0 =	sor.u32 s1, s0  }
0xbc: {  	s0 =	sadd.s32 $0x8F2B, s0  }
0xbd: {  	[sflag:s0] =	ssyncadd.remote.s32 $0x1  }
0xbe: {  	_ =	sfence.sel $0xFFFF  }
0xbf: {  	[dreg:$0x0] =	wrdreg $0xFFFFFFFF;
	(pc) =	sbr.abs _section_cstart, $3  }
0xc0: {  	[dreg:$0x1] =	wrdreg $0xFFFFFFFF  }
0xc1: {  	_ =	task.clear_ibuf [dreg:s6], $0x2FFFF;
	_ =	strace $0x9FFFFFFF  }
0xc2: {  	(tm) =	ssettm $0x7FFFFFFF  }
0xc3: {  	_ =	shalt  }
tec
execute0_lowered:
.L_overlay_start_1:
0x0: {  	(tag) =	ssettag $0x1  }
0x1: {  	s5 =	rddreg [dreg:$0x0]  }
0x2: {  	s1 =	rddreg [dreg:$0x1]  }
0x3: {  	s0 =	rddreg [dreg:$0x2]  }
0x4: {  	s3 =	simm.s32 $0x0;
	s2 =	srdreg.scid;
	s15 =	simm.s32 $0x14100  }
0x5: {  	s16 =	simm.s32 $0x1;
	s17 =	simm.s32 $0x14080;
	s6 =	sand.u32 $0x1, s2  }
0x6: {  	s18 =	simm.s32 $0x0;
	s2 =	stileid.u32;
	s7 =	smul.u32 $0x4E2, s6  }
0x7: {  	[smem:$0x7FF] =	sst s3;
	s4 =	sadd.s32 $0x20200, s5;
	s8 =	smul.u32 $0x2800, s2  }
0x8: {  	s10 =	sadd.s32 $0x48200, s5;
	_ =	strace $0x8000004A;
	s9 =	smul.u32 $0x28000, s6  }
0x9: {  	s11 =	ssub.s32 $0x2, s6;
	s13 =	smul.u32 $0x50000, s2;
	p0 =	slt.u32 s2, $0x2  }
0xa: {  	p1 =	seq.s32 s6, $0x1;
	s31 =	sshll.u32 s2, $0x6;
	s12 =	sshrl.u32 s11, $0x1  }
0xb: {  	s7 =	sadd.s32 s2, s7;
	s9 =	sadd.s32 s8, s9;
	s29 =	ssub.s32 s11, s12  }
0xc: {  	s30 =	sshrl.u32 s13, $0x2;
	s12 =	smov.u32 s4;
	s13 =	simm.s32 $0x14000  }
0xd: {  	s7 =	sshll.u32 s7, $0x5;
	s28 =	sadd.s32 s9, s5;
	s11 =	sadd.s32 s30, s1  }
0xe: {  	s12 =	smov.u32 @p1 s10;
	s9 =	sor.u32 $0x1C02, s31;
	s14 =	sadd.s32 s7, s5  }
0xf: {  	s5 =	simm.s32 $0x4F;
	s6 =	sadd.s32 $0x70200, s28;
	s7 =	smax.u32 s29, $0x1  }
0x10: {  	s8 =	sadd.s32 s12, s8;
	s11 =	sshrl.u32 s11, $0x3;
	s12 =	simm.s32 $0x2  }
0x11: {  	s5 =	simm.s32 @!p0 $0x4E;
	s10 =	sadd.s32 $0xC800, s14;
	s14 =	simm.s32 $0x80  }
.LBB2_1:
0x12: {  	[spmem:s11], [sflag:s9] =	dma.local [hbm:s8], $0x2800  }
0x13: {  	_ =	swait.ge [sflag:s12], $0x2800  }
0x14: {  	[sflag:s12] =	ssyncset.done $0x0  }
0x15: {  	[sflag:s12] =	ssyncadd.s32 $0xFFFFD800  }
0x16: {  	[bflag:$0x0] =	sbarrier.arrive $0xFFFF  }
0x17: {  	[tilespmem:s13], [sflag:$0x2] =	stream.linear.gather [hbm4b:s10+s3], $0x100, $0x38;
	[tilespmem:$0x18100] =	vst v63  }
0x18: {  	_ =	swait.ge [sflag:s12], $0x100  }
0x19: {  	[sflag:s12] =	ssyncset.done $0x0  }
0x1a: {  	[sflag:s12] =	ssyncadd.s32 $0xFFFFFF00  }
0x1b: {  	[tilespmem:s15], [sflag:$0x1] =	stream.indirect.gather [hbm4b:s4+s14], $0x80, s13, s14, $0xb8;
	[tilespmem:$0x18100] =	vst v63  }
0x1c: {  	p0 =	sne.s32 s5, $0x1;
	_ =	swait.ge [sflag:s16], $0x4000  }
.Ltmp0:
0x1d: {  	[sflag:s16] =	ssyncset.done $0x0;
	(pc) =	sbr.rel @!p0 .LBB2_3-.Ltmp0, $4  }
0x1e: {  	[sflag:s16] =	ssyncadd.s32 $0xFFFFC000  }
0x1f: {  	[spmem:s1] =	stream.indirect.scatter.add.f32 [tilespmem:s15], [sflag:$0x2], $0x80, s17, s14, $0xb8;
	[tilespmem:$0x18100] =	vst v63  }
0x20: {  	_ =	swait.ge [sflag:s12], $0x4000  }
0x21: {  	s19 =	sadd.s32 $0xFFFFFFFF, s5;
	s20 =	smov.u32 s10;
	[sflag:s12] =	ssyncset.done $0x0  }
.LBB2_2:
0x22: {  	p0 =	sne.s32 s19, $0x1;
	[sflag:s12] =	ssyncadd.s32 $0xFFFFC000;
	s20 =	sadd.s32 $0x200, s20  }
0x23: {  	[tilespmem:s13], [sflag:$0x2] =	stream.linear.gather [hbm4b:s20+s3], $0x100, $0x38;
	[tilespmem:$0x18100] =	vst v63  }
0x24: {  	s19 =	sadd.s32 $0xFFFFFFFF, s19;
	_ =	swait.ge [sflag:s12], $0x100  }
0x25: {  	[sflag:s12] =	ssyncset.done $0x0  }
0x26: {  	[sflag:s12] =	ssyncadd.s32 $0xFFFFFF00  }
0x27: {  	[tilespmem:s15], [sflag:$0x1] =	stream.indirect.gather [hbm4b:s4+s14], $0x80, s13, s14, $0xb8;
	[tilespmem:$0x18100] =	vst v63  }
0x28: {  	_ =	swait.ge [sflag:s16], $0x4000  }
.Ltmp1:
0x29: {  	[sflag:s16] =	ssyncset.done $0x0;
	(pc) =	sbr.rel @p0 .LBB2_2-.Ltmp1, $4  }
0x2a: {  	[sflag:s16] =	ssyncadd.s32 $0xFFFFC000  }
0x2b: {  	[spmem:s1] =	stream.indirect.scatter.add.f32 [tilespmem:s15], [sflag:$0x2], $0x80, s17, s14, $0xb8;
	[tilespmem:$0x18100] =	vst v63  }
0x2c: {  	_ =	swait.ge [sflag:s12], $0x4000  }
0x2d: {  	[sflag:s12] =	ssyncset.done $0x0  }
.LBB2_3:
0x2e: {  	[sflag:s12] =	ssyncadd.s32 $0xFFFFC000;
	v0 =	vimm.s32 $0x0  }
0x2f: {  	s19 =	simm.s32 $0x1FF;
	[bflag:$0x0] =	sbarrier.arrive $0xFFFF;
	v0 =	vmul.u32 $0x3, v0  }
.LBB2_4:
0x30: {  	p0 =	sne.s32 s19, $0x1  }
.Ltmp2:
0x31: {  	s19 =	sadd.s32 $0xFFFFFFFF, s19;
	v0 =	vadd.s32 $0x1, v0;
	(pc) =	sbr.rel @p0 .LBB2_4-.Ltmp2, $2  }
0x32: {  	_ =	sdelay $0x2  }
0x33: {  	v0 =	vmul.u32 $0x3, v0  }
0x34: {  	_ = 	snop  }
0x35: {  	s18 =	sadd.s32 $0x1, s18;
	v0 =	vadd.s32 $0x1, v0  }
0x36: {  	p0 =	sne.s32 s18, s7;
	[tilespmem:$0x14000] =	vst v0  }
.Ltmp3:
0x37: {  	[bflag:$0x0] =	sbarrier.arrive $0xFFFF;
	(pc) =	sbr.rel @p0 .LBB2_1-.Ltmp3, $4  }
0x38: {  	[hbm:s6], [sflag:s9] =	dma.local [spmem:s11], $0x2800  }
0x39: {  	_ =	swait.ge [sflag:s12], $0x2800  }
0x3a: {  	[sflag:s12] =	ssyncset.done $0x0  }
0x3b: {  	[sflag:s12] =	ssyncadd.s32 $0xFFFFD800  }
0x3c: {  	_ =	sfence.sel $0x180000  }
0x3d: {  	[bflag:$0x0] =	sbarrier.arrive $0xFFFF  }
0x3e: {  	p0 =	sne.s32 s2, $0x0;
	_ =	strace $0x9000004A  }
0x3f: {  	s0 =	sadd.s32 @!p0 $0x100000, s0;
	[bflag:$0x2] =	sbarrier.arrive $0xFFFF  }
0x40: {  	[sflag:s0] =	ssyncadd.tile.s32 @!p0 $0x1;
	_ =	shalt  }
.Lfunc_end2:
_tile_overlayer_lowered:
.L_overlay_start_2:
0x41: {  	(tag) =	ssettag $0x2  }
0x42: {  	s0 =	rddreg [dreg:$0x0];
	s2 =	stileid.u32  }
0x43: {  	s1 =	rddreg [dreg:$0x1];
	p0 =	sne.s32 s2, $0x0  }
0x44: {  	s3 =	rddreg [dreg:$0x2];
	[bflag:$0x3] =	sbarrier.arrive $0xFFFF;
	s2 =	simm.s32 @!p0 $0x1C02  }
0x45: {  	[timem:s3], [sflag:s2] =	dma.local @!p0 [hbm:s0], s1  }
0x46: {  	s0 =	simm.s32 @!p0 $0x2  }
0x47: {  	_ =	swait.ge @!p0 [sflag:s0], s1  }
0x48: {  	s1 =	ssub.s32 @!p0 $0x0, s1;
	[sflag:s0] =	ssyncset.done @!p0 $0x0  }
0x49: {  	[sflag:s0] =	ssyncadd.s32 @!p0 s1  }
0x4a: {  	[bflag:$0x3] =	sbarrier.arrive $0xFFFF  }
0x4b: {  	_ =	shalt  }

// kernel: kernel.14.cloned.1.call-start
scs
__scs_entry_jumppad:
0x0: {  	(pc) =	sbr.rel $0x88, $3  }
0x1: {  	(tag) =	ssettag $0x0;
	lr =	simm.s32 $0x1  }
0x2: {  	[smem:$0x3F9A] =	sst lr;
	_ =	strace $0xD0000000  }
0x3: {  	_ = 	snop  }
0x4: {  	_ = 	snop  }
0x5: {  	_ = 	snop  }
0x6: {  	_ = 	snop  }
0x7: {  	_ = 	snop  }
__scs_overlays_trampoline_lowered:
0x8: {  	[smem:$0x3FA9] =	sst s0  }
0x9: {  	[smem:$0x3FAA] =	sst s1  }
0xa: {  	[smem:$0x3FAB] =	sst s2  }
0xb: {  	[smem:$0x3FAC] =	sst s3  }
0xc: {  	[smem:$0x3FAD] =	sst s4  }
0xd: {  	[smem:$0x3FAE] =	sst s5  }
0xe: {  	[smem:$0x3FAF] =	sst s6  }
0xf: {  	[smem:$0x3FB0] =	sst s7  }
0x10: {  	[smem:$0x3FB1] =	sst s8  }
0x11: {  	[smem:$0x3FB2] =	sst s9;
	s0 =	simm.s32 @!p0 $0x0  }
0x12: {  	s1 =	sld [smem:$0x3F98];
	s0 =	simm.s32 @p0 $0x1  }
0x13: {  	[smem:$0x3FB3] =	sst s0;
	s0 =	simm.s32 @!p1 $0x0  }
0x14: {  	s2 =	sld [smem:$0x3F97];
	s0 =	simm.s32 @p1 $0x1  }
0x15: {  	[smem:$0x3FB4] =	sst s0;
	s0 =	simm.s32 @!p2 $0x0  }
0x16: {  	s3 =	sld [smem:$0x3FDB];
	s0 =	simm.s32 @p2 $0x1  }
0x17: {  	s4 =	simm.s32 $0x1BF5;
	[smem:$0x3FB6] =	sst s0  }
0x18: {  	s0 =	sld [smem:$0x3F99];
	_ =	swait.ge [sflag:s4], $0x0  }
0x19: {  	s7 =	sld [smem:$0x3F9A]  }
0x1a: {  	s8 =	sadd.s32 $0xFFFFE003, lr  }
0x1b: {  	s9 =	sadd.s32 $0xFFFFFEF7, lr;
	s5 =	simm.s32 $0xFFFFFFFF;
	p2 =	slt.u32 s8, $0xFFFFF086  }
0x1c: {  	p1 =	slt.u32 s9, $0xF7A;
	s5 =	simm.s32 @!p2 $0x0  }
0x1d: {  	s5 =	simm.s32 @p1 $0x1;
	p0 =	seq.s32 s7, s2  }
0x1e: {  	s7 =	smul.u32 @!p0 $0xF7A, s2;
	p2 =	seq.s32 @!p0 s5, $0x0  }
0x1f: {  	s9 =	smul.u32 $0xF7A, s1;
	s8 =	simm.s32 @!p0 $0x1BF5;
	p2 =	por !p2, p0  }
0x20: {  	[sflag:s8] =	ssyncset.s32 @!p0 $0xFFFFF086;
	s6 =	sadd.s32 @!p0 s3, s7;
	s7 =	simm.s32 @!p0 $0x108  }
0x21: {  	s3 =	sadd.s32 s3, s9;
	s6 =	sadd.s32 @!p0 $0x88, s6;
	s7 =	simm.s32 @p2 $0x1082  }
0x22: {  	[simem:s7], [sflag:s8] =	dma.local @!p0 [hbm:s6], $0xF7A  }
0x23: {  	s9 =	sor.u32 $0xD0000000, s2;
	s6 =	simm.s32 $0x108;
	_ =	swait.ge @!p0 [sflag:s8], $0x0  }
0x24: {  	s3 =	sadd.s32 $0x88, s3;
	s6 =	simm.s32 @!p1 $0x1082;
	[sflag:s4] =	ssyncset.s32 $0xFFFFF086  }
0x25: {  	[simem:s6], [sflag:s4] =	dma.local [hbm:s3], $0xF7A  }
0x26: {  	[smem:$0x3F9A] =	sst s1;
	(tag) =	ssettag s2;
	_ =	strace s9  }
0x27: {  	s1 =	sld [smem:$0x3FAA]  }
0x28: {  	s2 =	sld [smem:$0x3FAB]  }
0x29: {  	s4 =	sld [smem:$0x3FAD]  }
0x2a: {  	p0 =	seq.s32 s5, $0x0;
	s5 =	sld [smem:$0x3FAE]  }
0x2b: {  	s6 =	sld [smem:$0x3FAF]  }
0x2c: {  	s7 =	sld [smem:$0x3FB0]  }
0x2d: {  	s3 =	simm.s32 $0x108;
	s8 =	sld [smem:$0x3FB1]  }
0x2e: {  	s3 =	simm.s32 @!p0 $0x1082;
	s9 =	sld [smem:$0x3FB2]  }
0x2f: {  	lr =	sadd.s32 s0, s3;
	s0 =	sld [smem:$0x3FA9]  }
0x30: {  	s3 =	sld [smem:$0x3FAC]  }
0x31: {  	[smem:$0x3FB5] =	sst s10  }
0x32: {  	s10 =	sld [smem:$0x3FB3];
	_ =	sdelay $0x3  }
0x33: {  	p0 =	seq.s32 s10, $0x1;
	s10 =	sld [smem:$0x3FB5];
	_ =	sdelay $0x3  }
0x34: {  	[smem:$0x3FB5] =	sst s10  }
0x35: {  	s10 =	sld [smem:$0x3FB4];
	_ =	sdelay $0x3  }
0x36: {  	p1 =	seq.s32 s10, $0x1;
	s10 =	sld [smem:$0x3FB5];
	_ =	sdelay $0x3  }
0x37: {  	[smem:$0x3FB5] =	sst s10  }
0x38: {  	s10 =	sld [smem:$0x3FB6]  }
0x39: {  	_ = 	snop;
	(pc) =	sbr.ind lr, $3  }
0x3a: {  	_ = 	snop  }
0x3b: {  	_ = 	snop  }
0x3c: {  	p2 =	seq.s32 s10, $0x1;
	s10 =	sld [smem:$0x3FB5]  }
0x3d: {  	_ =	shalt  }
0x3e: {  	_ =	shalt  }
0x3f: {  	_ =	shalt  }
0x40: {  	_ =	shalt  }
0x41: {  	_ =	shalt  }
0x42: {  	_ =	shalt  }
0x43: {  	_ =	shalt  }
0x44: {  	_ =	shalt  }
0x45: {  	_ =	shalt  }
0x46: {  	_ =	shalt  }
0x47: {  	_ =	shalt  }
0x48: {  	_ =	shalt  }
0x49: {  	_ =	shalt  }
0x4a: {  	_ =	shalt  }
0x4b: {  	_ =	shalt  }
0x4c: {  	_ =	shalt  }
0x4d: {  	_ =	shalt  }
0x4e: {  	_ =	shalt  }
0x4f: {  	_ =	shalt  }
0x50: {  	_ =	shalt  }
0x51: {  	_ =	shalt  }
0x52: {  	_ =	shalt  }
0x53: {  	_ =	shalt  }
0x54: {  	_ =	shalt  }
0x55: {  	_ =	shalt  }
0x56: {  	_ =	shalt  }
0x57: {  	_ =	shalt  }
0x58: {  	_ =	shalt  }
0x59: {  	_ =	shalt  }
0x5a: {  	_ =	shalt  }
0x5b: {  	_ =	shalt  }
0x5c: {  	_ =	shalt  }
0x5d: {  	_ =	shalt  }
0x5e: {  	_ =	shalt  }
0x5f: {  	_ =	shalt  }
0x60: {  	_ =	shalt  }
0x61: {  	_ =	shalt  }
0x62: {  	_ =	shalt  }
0x63: {  	_ =	shalt  }
0x64: {  	_ =	shalt  }
0x65: {  	_ =	shalt  }
0x66: {  	_ =	shalt  }
0x67: {  	_ =	shalt  }
0x68: {  	_ =	shalt  }
0x69: {  	_ =	shalt  }
0x6a: {  	_ =	shalt  }
0x6b: {  	_ =	shalt  }
0x6c: {  	_ =	shalt  }
0x6d: {  	_ =	shalt  }
0x6e: {  	_ =	shalt  }
0x6f: {  	_ =	shalt  }
0x70: {  	_ =	shalt  }
0x71: {  	_ =	shalt  }
0x72: {  	_ =	shalt  }
0x73: {  	_ =	shalt  }
0x74: {  	_ =	shalt  }
0x75: {  	_ =	shalt  }
0x76: {  	_ =	shalt  }
0x77: {  	_ =	shalt  }
0x78: {  	_ =	shalt  }
0x79: {  	_ =	shalt  }
0x7a: {  	_ =	shalt  }
0x7b: {  	_ =	shalt  }
0x7c: {  	_ =	shalt  }
0x7d: {  	_ =	shalt  }
0x7e: {  	_ =	shalt  }
0x7f: {  	_ =	shalt  }
0x80: {  	_ =	shalt  }
0x81: {  	_ =	shalt  }
0x82: {  	_ =	shalt  }
0x83: {  	_ =	shalt  }
0x84: {  	_ =	shalt  }
0x85: {  	_ =	shalt  }
0x86: {  	_ =	shalt  }
0x87: {  	_ =	shalt  }
.Lfunc_end0:
.L_simem_size_0:
called_computation.2_lowered:
.L_overlay_start_0:
0x88: {  	s2 =	sld [smem:$0x3FD9]  }
0x89: {  	s3 =	sld [smem:$0x3FFE];
	_ =	sdelay $0x1  }
0x8a: {  	s1 =	srdreg.scid  }
0x8b: {  	s0 =	sand.u32 $0x1, s1  }
0x8c: {  	s14 =	sshll.u32 s0, $0xA;
	s2 =	sadd.s32 s3, s2  }
0x8d: {  	s2 =	sadd.s32 s2, s14  }
0x8e: {  	[smem:$0x3FC1] =	sst s2  }
0x8f: {  	_ = 	snop  }
0x90: {  	s2 =	sld [smem:$0x3FD0];
	_ =	sdelay $0x2  }
0x91: {  	s15 =	simm.s32 $0xA;
	s4 =	simm.s32 $0x10  }
0x92: {  	[smem:s4], [sflag:s15] =	dma.local [hbm:s2], $0x1  }
0x93: {  	_ =	swait.eq [sflag:s15], $0x1  }
0x94: {  	[sflag:s15] =	ssyncset.done $0x0  }
0x95: {  	[sflag:s15] =	ssyncadd.s32 $0xFFFFFFFF  }
0x96: {  	s16 =	sld [smem:$0x10];
	(tm) =	ssettm $0x1  }
0x97: {  	s17 =	sld [smem:$0x3FFB];
	_ =	sdelay $0x3  }
0x98: {  	_ =	strace s17  }
0x99: {  	s3 =	sld [smem:$0x3FFC];
	_ =	sdelay $0x3  }
0x9a: {  	_ =	strace s3  }
0x9b: {  	s3 =	sld [smem:$0x3FFD];
	_ =	sdelay $0x3  }
0x9c: {  	_ =	strace s3  }
0x9d: {  	_ =	strace $0x8FFFFFFF  }
0x9e: {  	s18 =	sld [smem:$0x3FDB];
	_ =	sdelay $0x1  }
0x9f: {  	s19 =	simm.s32 $_scs_section_size  }
0xa0: {  	s5 =	simm.s32 $_size__tile_overlayer_lowered;
	s6 =	simm.s32 $_tile_overlayer_lowered  }
0xa1: {  	s22 =	simm.s32 $0x1BFF;
	s21 =	sshll.u32 s6, $0x1;
	s3 =	sadd.s32 s19, s18  }
0xa2: {  	s7 =	simm.s32 $0x0;
	s20 =	sshll.u32 s5, $0x1;
	s5 =	sadd.s32 s21, s3  }
0xa3: {  	[timem:s7], [sflag:s22] =	dma.local [hbm:s5], s20  }
0xa4: {  	_ =	swait.ge [sflag:s22], s20  }
0xa5: {  	s4 =	ssub.s32 $0x0, s20;
	[sflag:s22] =	ssyncset.done $0x0  }
0xa6: {  	[sflag:s22] =	ssyncadd.s32 s4;
	_ =	sdelay $0x1  }
0xa7: {  	s23 =	simm.s32 $0x1B8B  }
0xa8: {  	_ =	swait.ge [sflag:s23], $0x1  }
0xa9: {  	[sflag:s23] =	ssyncset.done $0x0  }
0xaa: {  	s25 =	simm.s32 $0x1B8E;
	s24 =	sld [smem:$0x3FFE];
	[sflag:s23] =	ssyncadd.s32 $0xFFFFFFFF  }
0xab: {  	s26 =	simm.s32 $execute0_lowered;
	[smem:$0x3FD2] =	sst s25  }
0xac: {  	s5 =	sshll.u32 s26, $0x1;
	_ =	strace $0x8000004C;
	[dreg:$0x1] =	wrdreg $0xFFFFFFFF  }
0xad: {  	s28 =	simm.s32 $_size_execute0_lowered;
	s3 =	sadd.s32 s3, s5;
	[dreg:$0x0] =	wrdreg $0x0  }
0xae: {  	s5 =	sshll.u32 s28, $0x1;
	[dreg:$0x2] =	wrdreg s3  }
0xaf: {  	[dreg:$0x3] =	wrdreg s5  }
0xb0: {  	[dreg:$0x4] =	wrdreg $0xC0  }
0xb1: {  	_ =	task [dreg:s7], $0x5FFFF  }
0xb2: {  	[dreg:$0x1] =	wrdreg $0xFFFFFFFF  }
0xb3: {  	[dreg:$0x0] =	wrdreg $0x60  }
0xb4: {  	[dreg:$0x2] =	wrdreg s24  }
0xb5: {  	[dreg:$0x3] =	wrdreg s16  }
0xb6: {  	[dreg:$0x4] =	wrdreg $0x0  }
0xb7: {  	[dreg:$0x5] =	wrdreg $0x9  }
0xb8: {  	_ =	task.clear_ibuf [dreg:s7], $0x6FFFF;
	_ =	strace $0x9000004C  }
0xb9: {  	s29 =	simm.s32 $0x9;
	_ =	strace $0x8000004E  }
0xba: {  	_ =	swait.ge [sflag:s29], $0x1  }
0xbb: {  	[sflag:s29] =	ssyncadd.s32 $0xFFFFFFFF  }
0xbc: {  	_ =	strace $0x9000004E  }
0xbd: {  	_ =	sfence  }
0xbe: {  	s30 =	sld [smem:$0x0];
	_ =	sdelay $0x2  }
0xbf: {  	s31 =	sshll.u32 s1, $0xD;
	s1 =	sshrl.u32 s1, $0x2  }
0xc0: {  	s3 =	sand.u32 $0x4000, s31;
	s1 =	sadd.s32 s1, s30  }
0xc1: {  	s0 =	sor.u32 s3, s0;
	s1 =	sshll.u32 s1, $0x11  }
0xc2: {  	s0 =	sor.u32 s1, s0  }
0xc3: {  	s0 =	sadd.s32 $0x8F2B, s0  }
0xc4: {  	[sflag:s0] =	ssyncadd.remote.s32 $0x1  }
0xc5: {  	_ =	sfence.sel $0xFFFF  }
0xc6: {  	[dreg:$0x0] =	wrdreg $0xFFFFFFFF;
	(pc) =	sbr.abs _section_cstart, $3  }
0xc7: {  	[dreg:$0x1] =	wrdreg $0xFFFFFFFF  }
0xc8: {  	_ =	task.clear_ibuf [dreg:s7], $0x2FFFF;
	_ =	strace $0x9FFFFFFF  }
0xc9: {  	(tm) =	ssettm $0x7FFFFFFF  }
tec
execute0_lowered:
.L_overlay_start_1:
0x0: {  	(tag) =	ssettag $0x1  }
0x1: {  	s5 =	rddreg [dreg:$0x0]  }
0x2: {  	s10 =	rddreg [dreg:$0x1];
	s0 =	srdreg.scid  }
0x3: {  	s2 =	rddreg [dreg:$0x2];
	s1 =	stileid.u32  }
0x4: {  	s3 =	simm.s32 $0x0;
	s14 =	simm.s32 $0x80;
	s15 =	simm.s32 $0x14100  }
0x5: {  	s16 =	simm.s32 $0x1;
	s17 =	simm.s32 $0x14080;
	s18 =	simm.s32 $0x0  }
0x6: {  	s6 =	sand.u32 $0x1, s0;
	s0 =	rddreg [dreg:$0x3];
	s7 =	smul.u32 $0x280, s1  }
0x7: {  	[smem:$0x7FF] =	sst s3;
	s8 =	smul.u32 $0x50000, s1;
	s29 =	sshll.u32 s1, $0x6  }
0x8: {  	p0 =	slt.u32 s1, $0x4;
	s30 =	sshll.u32 s1, $0x8;
	s4 =	smul.u32 $0x2800, s6  }
0x9: {  	_ =	strace $0x8000004D;
	s9 =	ssub.s32 $0x2, s6;
	s6 =	smul.u32 $0x9C4, s6  }
0xa: {  	s11 =	sshrl.u32 s9, $0x1;
	s8 =	sshrl.u32 s8, $0x2;
	s7 =	sadd.s32 s7, s4  }
0xb: {  	s4 =	sadd.s32 $0x2A00, s5;
	s9 =	ssub.s32 s9, s11;
	s28 =	sadd.s32 s8, s2  }
0xc: {  	s6 =	sadd.s32 s1, s6;
	s8 =	sand.u32 $0x300, s30;
	s7 =	sshll.u32 s7, $0x4  }
0xd: {  	s13 =	sshll.u32 s6, $0x8;
	s6 =	simm.s32 $0x9D;
	s9 =	smax.u32 s9, $0x1  }
0xe: {  	s11 =	sshrl.u32 s28, $0x3;
	s12 =	sadd.s32 s7, s5;
	s13 =	sand.u32 $0x1FFC00, s13  }
0xf: {  	s5 =	sadd.s32 s4, s7;
	s7 =	sor.u32 $0x1C02, s29;
	s13 =	sor.u32 s8, s13  }
0x10: {  	s6 =	simm.s32 @!p0 $0x9C;
	s8 =	sadd.s32 $0x52A00, s12;
	s31 =	sshrl.u32 s13, $0x3  }
0x11: {  	s12 =	simm.s32 $0x2;
	s13 =	simm.s32 $0x14000;
	s10 =	sadd.s32 s31, s10  }
.LBB2_1:
0x12: {  	[spmem:s11], [sflag:s7] =	dma.local [hbm:s5], $0x2800  }
0x13: {  	_ =	swait.ge [sflag:s12], $0x2800  }
0x14: {  	[sflag:s12] =	ssyncset.done $0x0  }
0x15: {  	[sflag:s12] =	ssyncadd.s32 $0xFFFFD800  }
0x16: {  	[bflag:$0x0] =	sbarrier.arrive $0xFFFF  }
0x17: {  	[tilespmem:s13], [sflag:$0x2] =	stream.linear.gather [hbm4b:s10+s3], $0x100, $0x38;
	[tilespmem:$0x18100] =	vst v63  }
0x18: {  	_ =	swait.ge [sflag:s12], $0x100  }
0x19: {  	[sflag:s12] =	ssyncset.done $0x0  }
0x1a: {  	[sflag:s12] =	ssyncadd.s32 $0xFFFFFF00  }
0x1b: {  	[tilespmem:s15], [sflag:$0x1] =	stream.indirect.gather [hbm4b:s4+s14], $0x80, s13, s14, $0xb8;
	[tilespmem:$0x18100] =	vst v63  }
0x1c: {  	p0 =	sne.s32 s6, $0x1;
	_ =	swait.ge [sflag:s16], $0x4000  }
.Ltmp0:
0x1d: {  	[sflag:s16] =	ssyncset.done $0x0;
	(pc) =	sbr.rel @!p0 .LBB2_3-.Ltmp0, $4  }
0x1e: {  	[sflag:s16] =	ssyncadd.s32 $0xFFFFC000  }
0x1f: {  	[spmem:s2] =	stream.indirect.scatter.add.f32 [tilespmem:s15], [sflag:$0x2], $0x80, s17, s14, $0xb8;
	[tilespmem:$0x18100] =	vst v63  }
0x20: {  	_ =	swait.ge [sflag:s12], $0x4000  }
0x21: {  	s19 =	sadd.s32 $0xFFFFFFFF, s6;
	s20 =	smov.u32 s10;
	[sflag:s12] =	ssyncset.done $0x0  }
.LBB2_2:
0x22: {  	p0 =	sne.s32 s19, $0x1;
	[sflag:s12] =	ssyncadd.s32 $0xFFFFC000;
	s20 =	sadd.s32 $0x200, s20  }
0x23: {  	[tilespmem:s13], [sflag:$0x2] =	stream.linear.gather [hbm4b:s20+s3], $0x100, $0x38;
	[tilespmem:$0x18100] =	vst v63  }
0x24: {  	s19 =	sadd.s32 $0xFFFFFFFF, s19;
	_ =	swait.ge [sflag:s12], $0x100  }
0x25: {  	[sflag:s12] =	ssyncset.done $0x0  }
0x26: {  	[sflag:s12] =	ssyncadd.s32 $0xFFFFFF00  }
0x27: {  	[tilespmem:s15], [sflag:$0x1] =	stream.indirect.gather [hbm4b:s4+s14], $0x80, s13, s14, $0xb8;
	[tilespmem:$0x18100] =	vst v63  }
0x28: {  	_ =	swait.ge [sflag:s16], $0x4000  }
.Ltmp1:
0x29: {  	[sflag:s16] =	ssyncset.done $0x0;
	(pc) =	sbr.rel @p0 .LBB2_2-.Ltmp1, $4  }
0x2a: {  	[sflag:s16] =	ssyncadd.s32 $0xFFFFC000  }
0x2b: {  	[spmem:s2] =	stream.indirect.scatter.add.f32 [tilespmem:s15], [sflag:$0x2], $0x80, s17, s14, $0xb8;
	[tilespmem:$0x18100] =	vst v63  }
0x2c: {  	_ =	swait.ge [sflag:s12], $0x4000  }
0x2d: {  	[sflag:s12] =	ssyncset.done $0x0  }
.LBB2_3:
0x2e: {  	[sflag:s12] =	ssyncadd.s32 $0xFFFFC000;
	v0 =	vimm.s32 $0x0  }
0x2f: {  	s19 =	simm.s32 $0x1FF;
	[bflag:$0x0] =	sbarrier.arrive $0xFFFF;
	v0 =	vmul.u32 $0x3, v0  }
.LBB2_4:
0x30: {  	p0 =	sne.s32 s19, $0x1  }
.Ltmp2:
0x31: {  	s19 =	sadd.s32 $0xFFFFFFFF, s19;
	v0 =	vadd.s32 $0x1, v0;
	(pc) =	sbr.rel @p0 .LBB2_4-.Ltmp2, $2  }
0x32: {  	_ =	sdelay $0x2  }
0x33: {  	v0 =	vmul.u32 $0x3, v0  }
0x34: {  	_ = 	snop  }
0x35: {  	s18 =	sadd.s32 $0x1, s18;
	v0 =	vadd.s32 $0x1, v0  }
0x36: {  	p0 =	sne.s32 s18, s9;
	[tilespmem:$0x14000] =	vst v0  }
.Ltmp3:
0x37: {  	[bflag:$0x0] =	sbarrier.arrive $0xFFFF;
	(pc) =	sbr.rel @p0 .LBB2_1-.Ltmp3, $4  }
0x38: {  	[hbm:s8], [sflag:s7] =	dma.local [spmem:s11], $0x2800  }
0x39: {  	_ =	swait.ge [sflag:s12], $0x2800  }
0x3a: {  	[sflag:s12] =	ssyncset.done $0x0  }
0x3b: {  	[sflag:s12] =	ssyncadd.s32 $0xFFFFD800  }
0x3c: {  	_ =	sfence.sel $0x180000  }
0x3d: {  	[bflag:$0x0] =	sbarrier.arrive $0xFFFF  }
0x3e: {  	p0 =	sne.s32 s1, $0x0;
	_ =	strace $0x9000004D  }
0x3f: {  	s0 =	sadd.s32 @!p0 $0x100000, s0;
	[bflag:$0x2] =	sbarrier.arrive $0xFFFF  }
0x40: {  	[sflag:s0] =	ssyncadd.tile.s32 @!p0 $0x1;
	_ =	shalt  }
.Lfunc_end2:
_tile_overlayer_lowered:
.L_overlay_start_2:
0x41: {  	(tag) =	ssettag $0x2  }
0x42: {  	s0 =	rddreg [dreg:$0x0];
	s2 =	stileid.u32  }
0x43: {  	s1 =	rddreg [dreg:$0x1];
	p0 =	sne.s32 s2, $0x0  }
0x44: {  	s3 =	rddreg [dreg:$0x2];
	[bflag:$0x3] =	sbarrier.arrive $0xFFFF;
	s2 =	simm.s32 @!p0 $0x1C02  }
0x45: {  	[timem:s3], [sflag:s2] =	dma.local @!p0 [hbm:s0], s1  }
0x46: {  	s0 =	simm.s32 @!p0 $0x2  }
0x47: {  	_ =	swait.ge @!p0 [sflag:s0], s1  }
0x48: {  	s1 =	ssub.s32 @!p0 $0x0, s1;
	[sflag:s0] =	ssyncset.done @!p0 $0x0  }
0x49: {  	[sflag:s0] =	ssyncadd.s32 @!p0 s1  }
0x4a: {  	[bflag:$0x3] =	sbarrier.arrive $0xFFFF  }
0x4b: {  	_ =	shalt  }

// kernel: kernel.8.cloned.1.call-start
scs
__scs_entry_jumppad:
0x0: {  	(pc) =	sbr.rel $0x88, $3  }
0x1: {  	(tag) =	ssettag $0x0;
	lr =	simm.s32 $0x1  }
0x2: {  	[smem:$0x3F9A] =	sst lr;
	_ =	strace $0xD0000000  }
0x3: {  	_ = 	snop  }
0x4: {  	_ = 	snop  }
0x5: {  	_ = 	snop  }
0x6: {  	_ = 	snop  }
0x7: {  	_ = 	snop  }
__scs_overlays_trampoline_lowered:
0x8: {  	[smem:$0x3FA9] =	sst s0  }
0x9: {  	[smem:$0x3FAA] =	sst s1  }
0xa: {  	[smem:$0x3FAB] =	sst s2  }
0xb: {  	[smem:$0x3FAC] =	sst s3  }
0xc: {  	[smem:$0x3FAD] =	sst s4  }
0xd: {  	[smem:$0x3FAE] =	sst s5  }
0xe: {  	[smem:$0x3FAF] =	sst s6  }
0xf: {  	[smem:$0x3FB0] =	sst s7  }
0x10: {  	[smem:$0x3FB1] =	sst s8  }
0x11: {  	[smem:$0x3FB2] =	sst s9;
	s0 =	simm.s32 @!p0 $0x0  }
0x12: {  	s1 =	sld [smem:$0x3F98];
	s0 =	simm.s32 @p0 $0x1  }
0x13: {  	[smem:$0x3FB3] =	sst s0;
	s0 =	simm.s32 @!p1 $0x0  }
0x14: {  	s2 =	sld [smem:$0x3F97];
	s0 =	simm.s32 @p1 $0x1  }
0x15: {  	[smem:$0x3FB4] =	sst s0;
	s0 =	simm.s32 @!p2 $0x0  }
0x16: {  	s3 =	sld [smem:$0x3FDB];
	s0 =	simm.s32 @p2 $0x1  }
0x17: {  	s4 =	simm.s32 $0x1BF5;
	[smem:$0x3FB6] =	sst s0  }
0x18: {  	s0 =	sld [smem:$0x3F99];
	_ =	swait.ge [sflag:s4], $0x0  }
0x19: {  	s7 =	sld [smem:$0x3F9A]  }
0x1a: {  	s8 =	sadd.s32 $0xFFFFE003, lr  }
0x1b: {  	s9 =	sadd.s32 $0xFFFFFEF7, lr;
	s5 =	simm.s32 $0xFFFFFFFF;
	p2 =	slt.u32 s8, $0xFFFFF086  }
0x1c: {  	p1 =	slt.u32 s9, $0xF7A;
	s5 =	simm.s32 @!p2 $0x0  }
0x1d: {  	s5 =	simm.s32 @p1 $0x1;
	p0 =	seq.s32 s7, s2  }
0x1e: {  	s7 =	smul.u32 @!p0 $0xF7A, s2;
	p2 =	seq.s32 @!p0 s5, $0x0  }
0x1f: {  	s9 =	smul.u32 $0xF7A, s1;
	s8 =	simm.s32 @!p0 $0x1BF5;
	p2 =	por !p2, p0  }
0x20: {  	[sflag:s8] =	ssyncset.s32 @!p0 $0xFFFFF086;
	s6 =	sadd.s32 @!p0 s3, s7;
	s7 =	simm.s32 @!p0 $0x108  }
0x21: {  	s3 =	sadd.s32 s3, s9;
	s6 =	sadd.s32 @!p0 $0x88, s6;
	s7 =	simm.s32 @p2 $0x1082  }
0x22: {  	[simem:s7], [sflag:s8] =	dma.local @!p0 [hbm:s6], $0xF7A  }
0x23: {  	s9 =	sor.u32 $0xD0000000, s2;
	s6 =	simm.s32 $0x108;
	_ =	swait.ge @!p0 [sflag:s8], $0x0  }
0x24: {  	s3 =	sadd.s32 $0x88, s3;
	s6 =	simm.s32 @!p1 $0x1082;
	[sflag:s4] =	ssyncset.s32 $0xFFFFF086  }
0x25: {  	[simem:s6], [sflag:s4] =	dma.local [hbm:s3], $0xF7A  }
0x26: {  	[smem:$0x3F9A] =	sst s1;
	(tag) =	ssettag s2;
	_ =	strace s9  }
0x27: {  	s1 =	sld [smem:$0x3FAA]  }
0x28: {  	s2 =	sld [smem:$0x3FAB]  }
0x29: {  	s4 =	sld [smem:$0x3FAD]  }
0x2a: {  	p0 =	seq.s32 s5, $0x0;
	s5 =	sld [smem:$0x3FAE]  }
0x2b: {  	s6 =	sld [smem:$0x3FAF]  }
0x2c: {  	s7 =	sld [smem:$0x3FB0]  }
0x2d: {  	s3 =	simm.s32 $0x108;
	s8 =	sld [smem:$0x3FB1]  }
0x2e: {  	s3 =	simm.s32 @!p0 $0x1082;
	s9 =	sld [smem:$0x3FB2]  }
0x2f: {  	lr =	sadd.s32 s0, s3;
	s0 =	sld [smem:$0x3FA9]  }
0x30: {  	s3 =	sld [smem:$0x3FAC]  }
0x31: {  	[smem:$0x3FB5] =	sst s10  }
0x32: {  	s10 =	sld [smem:$0x3FB3];
	_ =	sdelay $0x3  }
0x33: {  	p0 =	seq.s32 s10, $0x1;
	s10 =	sld [smem:$0x3FB5];
	_ =	sdelay $0x3  }
0x34: {  	[smem:$0x3FB5] =	sst s10  }
0x35: {  	s10 =	sld [smem:$0x3FB4];
	_ =	sdelay $0x3  }
0x36: {  	p1 =	seq.s32 s10, $0x1;
	s10 =	sld [smem:$0x3FB5];
	_ =	sdelay $0x3  }
0x37: {  	[smem:$0x3FB5] =	sst s10  }
0x38: {  	s10 =	sld [smem:$0x3FB6]  }
0x39: {  	_ = 	snop;
	(pc) =	sbr.ind lr, $3  }
0x3a: {  	_ = 	snop  }
0x3b: {  	_ = 	snop  }
0x3c: {  	p2 =	seq.s32 s10, $0x1;
	s10 =	sld [smem:$0x3FB5]  }
0x3d: {  	_ =	shalt  }
0x3e: {  	_ =	shalt  }
0x3f: {  	_ =	shalt  }
0x40: {  	_ =	shalt  }
0x41: {  	_ =	shalt  }
0x42: {  	_ =	shalt  }
0x43: {  	_ =	shalt  }
0x44: {  	_ =	shalt  }
0x45: {  	_ =	shalt  }
0x46: {  	_ =	shalt  }
0x47: {  	_ =	shalt  }
0x48: {  	_ =	shalt  }
0x49: {  	_ =	shalt  }
0x4a: {  	_ =	shalt  }
0x4b: {  	_ =	shalt  }
0x4c: {  	_ =	shalt  }
0x4d: {  	_ =	shalt  }
0x4e: {  	_ =	shalt  }
0x4f: {  	_ =	shalt  }
0x50: {  	_ =	shalt  }
0x51: {  	_ =	shalt  }
0x52: {  	_ =	shalt  }
0x53: {  	_ =	shalt  }
0x54: {  	_ =	shalt  }
0x55: {  	_ =	shalt  }
0x56: {  	_ =	shalt  }
0x57: {  	_ =	shalt  }
0x58: {  	_ =	shalt  }
0x59: {  	_ =	shalt  }
0x5a: {  	_ =	shalt  }
0x5b: {  	_ =	shalt  }
0x5c: {  	_ =	shalt  }
0x5d: {  	_ =	shalt  }
0x5e: {  	_ =	shalt  }
0x5f: {  	_ =	shalt  }
0x60: {  	_ =	shalt  }
0x61: {  	_ =	shalt  }
0x62: {  	_ =	shalt  }
0x63: {  	_ =	shalt  }
0x64: {  	_ =	shalt  }
0x65: {  	_ =	shalt  }
0x66: {  	_ =	shalt  }
0x67: {  	_ =	shalt  }
0x68: {  	_ =	shalt  }
0x69: {  	_ =	shalt  }
0x6a: {  	_ =	shalt  }
0x6b: {  	_ =	shalt  }
0x6c: {  	_ =	shalt  }
0x6d: {  	_ =	shalt  }
0x6e: {  	_ =	shalt  }
0x6f: {  	_ =	shalt  }
0x70: {  	_ =	shalt  }
0x71: {  	_ =	shalt  }
0x72: {  	_ =	shalt  }
0x73: {  	_ =	shalt  }
0x74: {  	_ =	shalt  }
0x75: {  	_ =	shalt  }
0x76: {  	_ =	shalt  }
0x77: {  	_ =	shalt  }
0x78: {  	_ =	shalt  }
0x79: {  	_ =	shalt  }
0x7a: {  	_ =	shalt  }
0x7b: {  	_ =	shalt  }
0x7c: {  	_ =	shalt  }
0x7d: {  	_ =	shalt  }
0x7e: {  	_ =	shalt  }
0x7f: {  	_ =	shalt  }
0x80: {  	_ =	shalt  }
0x81: {  	_ =	shalt  }
0x82: {  	_ =	shalt  }
0x83: {  	_ =	shalt  }
0x84: {  	_ =	shalt  }
0x85: {  	_ =	shalt  }
0x86: {  	_ =	shalt  }
0x87: {  	_ =	shalt  }
.Lfunc_end0:
.L_simem_size_0:
called_computation_lowered:
.L_overlay_start_0:
0x88: {  	s2 =	sld [smem:$0x3FD9]  }
0x89: {  	s3 =	sld [smem:$0x3FFE];
	_ =	sdelay $0x1  }
0x8a: {  	s1 =	srdreg.scid  }
0x8b: {  	s0 =	sand.u32 $0x1, s1  }
0x8c: {  	s14 =	sshll.u32 s0, $0xA;
	s2 =	sadd.s32 s3, s2  }
0x8d: {  	s2 =	sadd.s32 s2, s14  }
0x8e: {  	[smem:$0x3FC1] =	sst s2  }
0x8f: {  	_ = 	snop  }
0x90: {  	s2 =	sld [smem:$0x3FD0];
	_ =	sdelay $0x2  }
0x91: {  	s15 =	simm.s32 $0xA;
	s4 =	simm.s32 $0x10  }
0x92: {  	[smem:s4], [sflag:s15] =	dma.local [hbm:s2], $0x1  }
0x93: {  	_ =	swait.eq [sflag:s15], $0x1  }
0x94: {  	[sflag:s15] =	ssyncset.done $0x0  }
0x95: {  	[sflag:s15] =	ssyncadd.s32 $0xFFFFFFFF  }
0x96: {  	s16 =	sld [smem:$0x10];
	(tm) =	ssettm $0x1  }
0x97: {  	s17 =	sld [smem:$0x3FFB];
	_ =	sdelay $0x3  }
0x98: {  	_ =	strace s17  }
0x99: {  	s3 =	sld [smem:$0x3FFC];
	_ =	sdelay $0x3  }
0x9a: {  	_ =	strace s3  }
0x9b: {  	s3 =	sld [smem:$0x3FFD];
	_ =	sdelay $0x3  }
0x9c: {  	_ =	strace s3  }
0x9d: {  	_ =	strace $0x8FFFFFFF  }
0x9e: {  	s18 =	sld [smem:$0x3FDB];
	_ =	sdelay $0x1  }
0x9f: {  	s19 =	simm.s32 $_scs_section_size  }
0xa0: {  	s5 =	simm.s32 $_size__tile_overlayer_lowered;
	s6 =	simm.s32 $_tile_overlayer_lowered  }
0xa1: {  	s22 =	simm.s32 $0x1BFF;
	s21 =	sshll.u32 s6, $0x1;
	s3 =	sadd.s32 s19, s18  }
0xa2: {  	s7 =	simm.s32 $0x0;
	s20 =	sshll.u32 s5, $0x1;
	s5 =	sadd.s32 s21, s3  }
0xa3: {  	[timem:s7], [sflag:s22] =	dma.local [hbm:s5], s20  }
0xa4: {  	_ =	swait.ge [sflag:s22], s20  }
0xa5: {  	s4 =	ssub.s32 $0x0, s20;
	[sflag:s22] =	ssyncset.done $0x0  }
0xa6: {  	[sflag:s22] =	ssyncadd.s32 s4;
	_ =	sdelay $0x1  }
0xa7: {  	s23 =	simm.s32 $0x1B8B  }
0xa8: {  	_ =	swait.ge [sflag:s23], $0x1  }
0xa9: {  	[sflag:s23] =	ssyncset.done $0x0  }
0xaa: {  	s25 =	simm.s32 $0x1B8E;
	s24 =	sld [smem:$0x3FFE];
	[sflag:s23] =	ssyncadd.s32 $0xFFFFFFFF  }
0xab: {  	s26 =	simm.s32 $execute0_lowered;
	[smem:$0x3FD2] =	sst s25  }
0xac: {  	s5 =	sshll.u32 s26, $0x1;
	_ =	strace $0x80000046;
	[dreg:$0x1] =	wrdreg $0xFFFFFFFF  }
0xad: {  	s28 =	simm.s32 $_size_execute0_lowered;
	s3 =	sadd.s32 s3, s5;
	[dreg:$0x0] =	wrdreg $0x0  }
0xae: {  	s5 =	sshll.u32 s28, $0x1;
	[dreg:$0x2] =	wrdreg s3  }
0xaf: {  	[dreg:$0x3] =	wrdreg s5  }
0xb0: {  	[dreg:$0x4] =	wrdreg $0xC0  }
0xb1: {  	_ =	task [dreg:s7], $0x5FFFF  }
0xb2: {  	[dreg:$0x1] =	wrdreg $0xFFFFFFFF  }
0xb3: {  	[dreg:$0x0] =	wrdreg $0x60  }
0xb4: {  	[dreg:$0x2] =	wrdreg s24  }
0xb5: {  	[dreg:$0x3] =	wrdreg s16  }
0xb6: {  	[dreg:$0x4] =	wrdreg $0x9  }
0xb7: {  	_ =	task.clear_ibuf [dreg:s7], $0x5FFFF;
	_ =	strace $0x90000046  }
0xb8: {  	s29 =	simm.s32 $0x9;
	_ =	strace $0x80000048  }
0xb9: {  	_ =	swait.ge [sflag:s29], $0x1  }
0xba: {  	[sflag:s29] =	ssyncadd.s32 $0xFFFFFFFF  }
0xbb: {  	_ =	strace $0x90000048  }
0xbc: {  	_ =	sfence  }
0xbd: {  	s30 =	sld [smem:$0x0];
	_ =	sdelay $0x2  }
0xbe: {  	s31 =	sshll.u32 s1, $0xD;
	s1 =	sshrl.u32 s1, $0x2  }
0xbf: {  	s3 =	sand.u32 $0x4000, s31;
	s1 =	sadd.s32 s1, s30  }
0xc0: {  	s0 =	sor.u32 s3, s0;
	s1 =	sshll.u32 s1, $0x11  }
0xc1: {  	s0 =	sor.u32 s1, s0  }
0xc2: {  	s0 =	sadd.s32 $0x8F2B, s0  }
0xc3: {  	[sflag:s0] =	ssyncadd.remote.s32 $0x1  }
0xc4: {  	_ =	sfence.sel $0xFFFF  }
0xc5: {  	[dreg:$0x0] =	wrdreg $0xFFFFFFFF;
	(pc) =	sbr.abs _section_cstart, $3  }
0xc6: {  	[dreg:$0x1] =	wrdreg $0xFFFFFFFF  }
0xc7: {  	_ =	task.clear_ibuf [dreg:s7], $0x2FFFF;
	_ =	strace $0x9FFFFFFF  }
0xc8: {  	(tm) =	ssettm $0x7FFFFFFF  }
0xc9: {  	_ =	shalt  }
tec
execute0_lowered:
.L_overlay_start_1:
0x0: {  	(tag) =	ssettag $0x1  }
0x1: {  	s0 =	srdreg.scid  }
0x2: {  	s4 =	rddreg [dreg:$0x0];
	s3 =	sand.u32 $0x1, s0  }
0x3: {  	s5 =	rddreg [dreg:$0x1];
	s0 =	stileid.u32;
	s1 =	sshll.u32 s3, $0x4  }
0x4: {  	s2 =	simm.s32 $0x0;
	s9 =	simm.s32 $0x400;
	s6 =	sor.u32 s0, s1  }
0x5: {  	s10 =	simm.s32 $0x0;
	[smem:$0x7FF] =	sst s2;
	s7 =	sshrl.u32 s6, $0x3  }
0x6: {  	s8 =	sshll.u32 s0, $0x7;
	s3 =	ssub.s32 $0x2, s3;
	s7 =	smul.u32 $0x14000, s7  }
0x7: {  	s1 =	rddreg [dreg:$0x2];
	s8 =	sand.u32 $0x380, s8;
	s6 =	smul.u32 $0x4E2, s6  }
0x8: {  	_ =	strace $0x80000047;
	s31 =	sshrl.u32 s3, $0x1;
	s7 =	sor.u32 s8, s7  }
0x9: {  	s4 =	sadd.s32 s6, s4;
	s6 =	ssub.s32 s3, s31;
	s7 =	sshrl.u32 s7, $0x3  }
0xa: {  	s3 =	sadd.s32 $0x2A00, s4;
	s8 =	simm.s32 $0x80;
	s4 =	sadd.s32 s5, s7  }
0xb: {  	v0 =	vimm.f32 $0.0e+00;
	v1 =	vimm.f32 $1.000000000e+00;
	s5 =	smax.u32 s6, $0x1;
	s6 =	simm.s32 $0x2800;
	s7 =	simm.s32 $0x1  }
.LBB2_1:
0xc: {  	s11 =	simm.s32 $0x40;
	s12 =	simm.s32 $0x0  }
.LBB2_2:
0xd: {  	p0 =	sne.s32 s11, $0x9FC0;
	[tilespmem:s12+$0x0] =	vst v0;
	s12 =	smov.u32 s11;
	s11 =	sadd.s32 $0x40, s11  }
.Ltmp0:
0xe: {  	(pc) =	sbr.rel @p0 .LBB2_2-.Ltmp0, $2  }
0xf: {  	_ =	sdelay $0x2  }
0x10: {  	s12 =	sshra.s32 s12, $0x2  }
0x11: {  	[tilespmem:s12+$0x0] =	vst v0;
	s11 =	simm.s32 $0x0  }
0x12: {  	[tilespmem:s6], [sflag:$0x1] =	stream.linear.gather [hbm4b:s3+s11], $0x2710, $0x38;
	[tilespmem:$0x4F80] =	vst v63  }
0x13: {  	_ =	swait.ge [sflag:s7], $0x2710  }
0x14: {  	[sflag:s7] =	ssyncset.done $0x0  }
0x15: {  	s12 =	simm.s32 $0x0;
	s11 =	simm.s32 $0x40;
	[sflag:s7] =	ssyncadd.s32 $0xFFFFD8F0  }
.LBB2_4:
0x16: {  	p0 =	sne.s32 s11, $0x9C00;
	v2 =	vld [tilespmem:s12+$0x2800];
	_ =	sdelay $0x3  }
.Ltmp1:
0x17: {  	(pc) =	sbr.rel @p0 .LBB2_4-.Ltmp1, $2  }
0x18: {  	_ =	sdelay $0x2  }
0x19: {  	s12 =	sshra.s32 s11, $0x2;
	s11 =	sadd.s32 $0x40, s11;
	[tilespmem:v2+s2+$0x0] =	vst.idx.add.f32.msk $0xffff, v1  }
0x1a: {  	v2 =	vld [tilespmem:s12+$0x2800];
	_ =	sdelay $0x5  }
0x1b: {  	s10 =	sadd.s32 $0x1, s10  }
0x1c: {  	p0 =	sne.s32 s10, s5  }
.Ltmp2:
0x1d: {  	[tilespmem:v2+s2+$0x0] =	vst.idx.add.f32.msk $0xffff, v1;
	(pc) =	sbr.rel @p0 .LBB2_1-.Ltmp2, $4  }
0x1e: {  	[hbm4b:s4+s8] =	stream.strided.scatter [tilespmem:s2], [sflag:$0x1], $0x2800, s9, s8, $0x38;
	[tilespmem:$0x4F80] =	vst v63  }
0x1f: {  	_ =	swait.ge [sflag:s7], $0x2800  }
0x20: {  	[sflag:s7] =	ssyncset.done $0x0  }
0x21: {  	[sflag:s7] =	ssyncadd.s32 $0xFFFFD800  }
0x22: {  	_ =	sfence.sel $0x180000  }
0x23: {  	[bflag:$0x0] =	sbarrier.arrive $0xFFFF  }
0x24: {  	p0 =	sne.s32 s0, $0x0;
	_ =	strace $0x90000047  }
0x25: {  	s0 =	sadd.s32 @!p0 $0x100000, s1;
	[bflag:$0x2] =	sbarrier.arrive $0xFFFF  }
0x26: {  	[sflag:s0] =	ssyncadd.tile.s32 @!p0 $0x1;
	_ =	shalt  }
.Lfunc_end2:
_tile_overlayer_lowered:
.L_overlay_start_2:
0x27: {  	(tag) =	ssettag $0x2  }
0x28: {  	s0 =	rddreg [dreg:$0x0];
	s2 =	stileid.u32  }
0x29: {  	s1 =	rddreg [dreg:$0x1];
	p0 =	sne.s32 s2, $0x0  }
0x2a: {  	s3 =	rddreg [dreg:$0x2];
	[bflag:$0x3] =	sbarrier.arrive $0xFFFF;
	s2 =	simm.s32 @!p0 $0x1C01  }
0x2b: {  	[timem:s3], [sflag:s2] =	dma.local @!p0 [hbm:s0], s1  }
0x2c: {  	s0 =	simm.s32 @!p0 $0x1  }
0x2d: {  	_ =	swait.ge @!p0 [sflag:s0], s1  }
0x2e: {  	s1 =	ssub.s32 @!p0 $0x0, s1;
	[sflag:s0] =	ssyncset.done @!p0 $0x0  }
0x2f: {  	[sflag:s0] =	ssyncadd.s32 @!p0 s1  }
0x30: {  	[bflag:$0x3] =	sbarrier.arrive $0xFFFF  }
0x31: {  	_ =	shalt  }

</sc_bundles>
